<compile_context>
chip_gen: v7x
topology: tpu7x:2x2x1
jax: 0.10.2.dev20260603
libtpu: 0.0.44.dev20260713+nightly
codegen_flags: <defaults>
</compile_context>

<pallas_src>
import functools

import jax
import jax.numpy as jnp
from jax.experimental import pallas as pl
from jax.experimental.pallas import tpu as pltpu
from jax.experimental.pallas import tpu_sc as plsc

_EMB = 64
_MAXLEN = 200
_W = 128


def _pos_encoding():
    k = jnp.arange(_MAXLEN, dtype=jnp.float32)[:, None]
    i = jnp.arange(_EMB // 2, dtype=jnp.float32)[None, :]
    denom = jnp.power(10000.0, 2.0 * i / _EMB)
    p = jnp.zeros((_MAXLEN, _EMB), dtype=jnp.float32)
    p = p.at[:, 0::2].set(jnp.sin(k / denom))
    p = p.at[:, 1::2].set(jnp.cos(k / denom))
    return p


def kernel(x, pos, table):
    b, l = x.shape
    n = b * l
    p_table = _pos_encoding()
    xf = x.reshape(1, n).astype(jnp.int32)
    pf = pos.reshape(1, n).astype(jnp.int32)
    mesh = plsc.VectorSubcoreMesh(core_axis_name="c", subcore_axis_name="s")

    @functools.partial(
        pl.kernel,
        out_type=jax.ShapeDtypeStruct((n, _EMB), jnp.float32),
        mesh=mesh,
        scratch_types=[pltpu.VMEM((_W, _EMB), jnp.float32)],
        compiler_params=pltpu.CompilerParams(use_tc_tiling_on_sc=False),
    )
    def sc_kernel(table_hbm, p_hbm, x_hbm, pos_hbm, o_hbm, p_rows):
        def body(xi, pi, o_vmem):
            pltpu.sync_copy(table_hbm.at[xi.at[0]], o_vmem)
            pltpu.sync_copy(p_hbm.at[pi.at[0]], p_rows)

            @pl.loop(0, _W)
            def _(r):
                for c in range(_EMB // 16):
                    sl = pl.ds(c * 16, 16)
                    o_vmem[r, sl] = o_vmem[r, sl] + p_rows[r, sl]

        pltpu.emit_pipeline(
            body,
            grid=(n // _W,),
            in_specs=[
                pl.BlockSpec((1, _W), lambda i: (0, i)),
                pl.BlockSpec((1, _W), lambda i: (0, i)),
            ],
            out_specs=[pl.BlockSpec((_W, _EMB), lambda i: (i, 0))],
            core_axis_name=("c", "s"),
            dimension_semantics=(pltpu.PARALLEL,),
        )(x_hbm, pos_hbm, o_hbm)

    out = sc_kernel(table, p_table, xf, pf)
    return out.reshape(b, l, _EMB)

# --- scband reference (transcript-rebuilt; emitter-appended) ---
"""Pipeline reference for scband-position-encoding-embedding-31155692765671 (READ-ONLY COPY).

The authoritative reference and input builder live on the scoring server;
editing this copy changes nothing except your own understanding.
"""

import jax, jax.numpy as jnp
import numpy as np

VOCAB = 1000000
EMB = 64
MAXLEN = 200
B = 4096
L = 200


def get_sincos_position_encoding(max_length, embedding_dim, n=10000):
    k = jnp.arange(max_length, dtype=jnp.float32)[:, None]
    i = jnp.arange(embedding_dim // 2, dtype=jnp.float32)[None, :]
    denominator = jnp.power(float(n), 2.0 * i / embedding_dim)
    P = jnp.zeros((max_length, embedding_dim), dtype=jnp.float32)
    P = P.at[:, 0::2].set(jnp.sin(k / denominator))
    P = P.at[:, 1::2].set(jnp.cos(k / denominator))
    return P


def setup_inputs(seed: int = 0) -> dict:
    key = jax.random.key(seed)
    kx, kp, kw = jax.random.split(key, 3)
    x = jax.random.randint(kx, (B, L), 0, VOCAB, dtype=jnp.int64 if jax.config.jax_enable_x64 else jnp.int32)
    pos = jax.random.randint(kp, (B, L), 0, MAXLEN, dtype=jnp.int64 if jax.config.jax_enable_x64 else jnp.int32)
    table = jax.random.normal(kw, (VOCAB, EMB), dtype=jnp.float32)
    return {"x": x, "pos": pos, "table": table}


def reference(x, pos, table):
    # faithful to torch forward; dropout is identity in eval mode
    pos_enc_full = get_sincos_position_encoding(MAXLEN, EMB)
    pos_enc = pos_enc_full[pos, :]          # gather [B, L, EMB]
    word_emb = jnp.take(table, x, axis=0)   # embedding lookup [B, L, EMB]
    return word_emb + pos_enc

if __name__ == "__main__":
    import jax
    _d = setup_inputs()
    print(jax.jit(kernel)(*tuple(_d.values())))

</pallas_src>

<mosaic_0001>
#map = affine_map<(d0, d1) -> (0, 0)>
module attributes {stable_mosaic.version = 14 : i64} {
  func.func @sc_kernel(%arg0: i32, %arg1: i32, %arg2: memref<1000000x64xf32, #tpu.memory_space<hbm>>, %arg3: memref<200x64xf32, #tpu.memory_space<hbm>>, %arg4: memref<1x819200xi32, #tpu.memory_space<hbm>>, %arg5: memref<1x819200xi32, #tpu.memory_space<hbm>>, %arg6: memref<819200x64xf32, #tpu.memory_space<hbm>>, %arg7: memref<128x64xf32, #tpu.memory_space<vmem>>) attributes {dimension_semantics = [#tpu.dimension_semantics<core_parallel>, #tpu.dimension_semantics<subcore_parallel>], iteration_bounds = array<i64: 2, 16>, scalar_prefetch = 0 : i64, scratch_operands = 1 : i64, tpu.core_type = #tpu.core_type<sc_vector_subcore>, window_params = [{transform_indices = #map}, {transform_indices = #map}, {transform_indices = #map}, {transform_indices = #map}, {transform_indices = #map}]} {
    %mul3A = arith.constant 1 : i32
    %mul3A_0 = arith.muli %arg1, %mul3A : i32
    %add3A = arith.constant 0 : i32
    %add3A_1 = arith.addi %add3A, %mul3A_0 : i32
    %mul3A_2 = arith.constant 16 : i32
    %mul3A_3 = arith.muli %arg0, %mul3A_2 : i32
    %add3A_4 = arith.addi %add3A_1, %mul3A_3 : i32
    %mul3A_5 = arith.constant 200 : i32
    %mul3A_6 = arith.muli %add3A_4, %mul3A_5 : i32
    "tpu.region"() ({
      %run_scoped3A = memref.alloca() : memref<2x1x128xi32, #tpu.memory_space<vmem>>
      %run_scoped3A_7 = tpu.sem_alloc : memref<2x!tpu.dma_semaphore, #tpu.memory_space<semaphore_mem>>
      %run_scoped3A_8 = memref.alloca() : memref<2x1x128xi32, #tpu.memory_space<vmem>>
      %run_scoped3A_9 = tpu.sem_alloc : memref<2x!tpu.dma_semaphore, #tpu.memory_space<semaphore_mem>>
      %run_scoped3A_10 = memref.alloca() : memref<2x128x64xf32, #tpu.memory_space<vmem>>
      %run_scoped3A_11 = tpu.sem_alloc : memref<2x!tpu.dma_semaphore, #tpu.memory_space<semaphore_mem>>
      %add3A_12 = arith.constant 0 : i32
      %add3A_13 = arith.addi %add3A_12, %mul3A_6 : i32
      %select_n3A = arith.constant true
      %select_n3A_14 = arith.constant 0 : i32
      %select_n3A_15 = arith.constant -1 : i32
      %select_n3A_16 = arith.select %select_n3A, %select_n3A_15, %select_n3A_14 : i32
      %eq3A = arith.constant -1 : i32
      %eq3A_17 = arith.cmpi eq, %select_n3A_16, %eq3A : i32
      %select_n3A_18 = arith.constant 199 : i32
      %select_n3A_19 = arith.select %eq3A_17, %select_n3A_18, %select_n3A_16 : i32
      %add3A_20 = arith.addi %select_n3A_19, %mul3A_6 : i32
      %select_n3A_21 = arith.constant true
      %select_n3A_22 = arith.constant 0 : i32
      %select_n3A_23 = arith.constant 1 : i32
      %select_n3A_24 = arith.select %select_n3A_21, %select_n3A_23, %select_n3A_22 : i32
      %eq3A_25 = arith.constant 200 : i32
      %eq3A_26 = arith.cmpi eq, %select_n3A_24, %eq3A_25 : i32
      %select_n3A_27 = arith.constant 0 : i32
      %select_n3A_28 = arith.select %eq3A_26, %select_n3A_27, %select_n3A_24 : i32
      %add3A_29 = arith.addi %select_n3A_28, %mul3A_6 : i32
      %add3A_30 = arith.constant 1 : i32
      %add3A_31 = arith.addi %select_n3A_28, %add3A_30 : i32
      %select_n3A_32 = arith.constant true
      %select_n3A_33 = arith.select %select_n3A_32, %add3A_31, %select_n3A_28 : i32
      %eq3A_34 = arith.constant 200 : i32
      %eq3A_35 = arith.cmpi eq, %select_n3A_33, %eq3A_34 : i32
      %select_n3A_36 = arith.constant 0 : i32
      %select_n3A_37 = arith.select %eq3A_35, %select_n3A_36, %select_n3A_33 : i32
      %add3A_38 = arith.addi %select_n3A_37, %mul3A_6 : i32
      "tpu.trace_start"() <{level = 10 : i32, message = "ep_initialize_0"}> : () -> ()
      %rem3A = arith.constant 0 : i32
      %rem3A_39 = arith.constant 2 : i32
      %rem3A_40 = arith.remui %rem3A, %rem3A_39 : i32
      %mul3A_41 = arith.constant 128 : i32
      %mul3A_42 = arith.muli %mul3A_41, %add3A_13 : i32
      %dma_start3A = arith.constant 0 : i32
      %dma_start3A_43 = arith.constant 0 : i32
      %dma_start3A_44 = tpu.memref_slice %run_scoped3A[%rem3A_40, %dma_start3A, %dma_start3A_43] : memref<2x1x128xi32, #tpu.memory_space<vmem>> -> memref<1x1x128xi32, #tpu.memory_space<vmem>>
      %dma_start3A_45 = tpu.memref_squeeze %dma_start3A_44 : memref<1x1x128xi32, #tpu.memory_space<vmem>> -> memref<1x128xi32, #tpu.memory_space<vmem>>
      %dma_start3A_46 = arith.constant 0 : i32
      %dma_start3A_47 = tpu.memref_slice %arg4[%dma_start3A_46, %mul3A_42] : memref<1x819200xi32, #tpu.memory_space<hbm>> -> memref<1x128xi32, #tpu.memory_space<hbm>>
      %dma_start3A_48 = tpu.memref_slice %run_scoped3A_7[%rem3A_40] : memref<2x!tpu.dma_semaphore, #tpu.memory_space<semaphore_mem>> -> memref<1x!tpu.dma_semaphore, #tpu.memory_space<semaphore_mem>>
      %dma_start3A_49 = tpu.memref_squeeze %dma_start3A_48 : memref<1x!tpu.dma_semaphore, #tpu.memory_space<semaphore_mem>> -> memref<!tpu.dma_semaphore, #tpu.memory_space<semaphore_mem>>
      %dma_start3A_50 = arith.constant 0 : i32
      %dma_start3A_51 = arith.constant 0 : i32
      %dma_start3A_52 = tpu.memref_slice %run_scoped3A[%rem3A_40, %dma_start3A_50, %dma_start3A_51] : memref<2x1x128xi32, #tpu.memory_space<vmem>> -> memref<1x1x128xi32, #tpu.memory_space<vmem>>
      %dma_start3A_53 = tpu.memref_squeeze %dma_start3A_52 : memref<1x1x128xi32, #tpu.memory_space<vmem>> -> memref<1x128xi32, #tpu.memory_space<vmem>>
      %dma_start3A_54 = arith.constant 0 : i32
      %dma_start3A_55 = tpu.memref_slice %arg4[%dma_start3A_54, %mul3A_42] : memref<1x819200xi32, #tpu.memory_space<hbm>> -> memref<1x128xi32, #tpu.memory_space<hbm>>
      tpu.enqueue_dma source(%dma_start3A_55 : memref<1x128xi32, #tpu.memory_space<hbm>>) target(%dma_start3A_53 : memref<1x128xi32, #tpu.memory_space<vmem>>) target_semaphore(%dma_start3A_49 : memref<!tpu.dma_semaphore, #tpu.memory_space<semaphore_mem>>)
      %add3A_56 = arith.constant 0 : i32
      %add3A_57 = arith.constant 1 : i32
      %add3A_58 = arith.addi %add3A_56, %add3A_57 : i32
      %select_n3A_59 = arith.constant true
      %select_n3A_60 = arith.constant 0 : i32
      %select_n3A_61 = arith.select %select_n3A_59, %add3A_58, %select_n3A_60 : i32
      %rem3A_62 = arith.constant 0 : i32
      %rem3A_63 = arith.constant 2 : i32
      %rem3A_64 = arith.remui %rem3A_62, %rem3A_63 : i32
      %mul3A_65 = arith.constant 128 : i32
      %mul3A_66 = arith.muli %mul3A_65, %add3A_13 : i32
      %dma_start3A_67 = arith.constant 0 : i32
      %dma_start3A_68 = arith.constant 0 : i32
      %dma_start3A_69 = tpu.memref_slice %run_scoped3A_8[%rem3A_64, %dma_start3A_67, %dma_start3A_68] : memref<2x1x128xi32, #tpu.memory_space<vmem>> -> memref<1x1x128xi32, #tpu.memory_space<vmem>>
      %dma_start3A_70 = tpu.memref_squeeze %dma_start3A_69 : memref<1x1x128xi32, #tpu.memory_space<vmem>> -> memref<1x128xi32, #tpu.memory_space<vmem>>
      %dma_start3A_71 = arith.constant 0 : i32
      %dma_start3A_72 = tpu.memref_slice %arg5[%dma_start3A_71, %mul3A_66] : memref<1x819200xi32, #tpu.memory_space<hbm>> -> memref<1x128xi32, #tpu.memory_space<hbm>>
      %dma_start3A_73 = tpu.memref_slice %run_scoped3A_9[%rem3A_64] : memref<2x!tpu.dma_semaphore, #tpu.memory_space<semaphore_mem>> -> memref<1x!tpu.dma_semaphore, #tpu.memory_space<semaphore_mem>>
      %dma_start3A_74 = tpu.memref_squeeze %dma_start3A_73 : memref<1x!tpu.dma_semaphore, #tpu.memory_space<semaphore_mem>> -> memref<!tpu.dma_semaphore, #tpu.memory_space<semaphore_mem>>
      %dma_start3A_75 = arith.constant 0 : i32
      %dma_start3A_76 = arith.constant 0 : i32
      %dma_start3A_77 = tpu.memref_slice %run_scoped3A_8[%rem3A_64, %dma_start3A_75, %dma_start3A_76] : memref<2x1x128xi32, #tpu.memory_space<vmem>> -> memref<1x1x128xi32, #tpu.memory_space<vmem>>
      %dma_start3A_78 = tpu.memref_squeeze %dma_start3A_77 : memref<1x1x128xi32, #tpu.memory_space<vmem>> -> memref<1x128xi32, #tpu.memory_space<vmem>>
      %dma_start3A_79 = arith.constant 0 : i32
      %dma_start3A_80 = tpu.memref_slice %arg5[%dma_start3A_79, %mul3A_66] : memref<1x819200xi32, #tpu.memory_space<hbm>> -> memref<1x128xi32, #tpu.memory_space<hbm>>
      tpu.enqueue_dma source(%dma_start3A_80 : memref<1x128xi32, #tpu.memory_space<hbm>>) target(%dma_start3A_78 : memref<1x128xi32, #tpu.memory_space<vmem>>) target_semaphore(%dma_start3A_74 : memref<!tpu.dma_semaphore, #tpu.memory_space<semaphore_mem>>)
      %add3A_81 = arith.constant 0 : i32
      %add3A_82 = arith.constant 1 : i32
      %add3A_83 = arith.addi %add3A_81, %add3A_82 : i32
      %select_n3A_84 = arith.constant true
      %select_n3A_85 = arith.constant 0 : i32
      %select_n3A_86 = arith.select %select_n3A_84, %add3A_83, %select_n3A_85 : i32
      "tpu.trace_stop"() : () -> ()
      %scan3A = arith.constant 0 : i32
      %scan3A_87 = arith.constant 0 : i32
      %scan3A_88 = arith.constant 0 : i32
      %scan3A_89 = arith.constant 0 : i32
      %scan3A_90 = arith.constant 0 : i32
      %scan3A_91 = arith.constant 0 : i32
      %scan3A_92 = arith.constant 200 : i32
      %scan3A_93 = arith.addi %scan3A_91, %scan3A_92 : i32
      %scan3A_94 = arith.constant 1 : i32
      %scan3A_95:7 = scf.for %scan3A_149 = %scan3A_91 to %scan3A_93 step %scan3A_94 iter_args(%scan3A_150 = %select_n3A_61, %scan3A_151 = %scan3A, %scan3A_152 = %select_n3A_86, %scan3A_153 = %scan3A_87, %scan3A_154 = %scan3A_88, %scan3A_155 = %scan3A_89, %scan3A_156 = %scan3A_90) -> (i32, i32, i32, i32, i32, i32, i32)  : i32 {
        %eq3A_157 = arith.constant 0 : i32
        %eq3A_158 = arith.cmpi eq, %scan3A_149, %eq3A_157 : i32
        %eq3A_159 = arith.constant 199 : i32
        %eq3A_160 = arith.cmpi eq, %scan3A_149, %eq3A_159 : i32
        %add3A_161 = arith.addi %scan3A_156, %mul3A_6 : i32
        %sub3A_162 = arith.constant 1 : i32
        %sub3A_163 = arith.subi %scan3A_156, %sub3A_162 : i32
        %select_n3A_164 = arith.constant true
        %select_n3A_165 = arith.select %select_n3A_164, %sub3A_163, %scan3A_156 : i32
        %eq3A_166 = arith.constant -1 : i32
        %eq3A_167 = arith.cmpi eq, %select_n3A_165, %eq3A_166 : i32
        %select_n3A_168 = arith.constant 199 : i32
        %select_n3A_169 = arith.select %eq3A_167, %select_n3A_168, %select_n3A_165 : i32
        %add3A_170 = arith.addi %select_n3A_169, %mul3A_6 : i32
        %add3A_171 = arith.constant 1 : i32
        %add3A_172 = arith.addi %scan3A_156, %add3A_171 : i32
        %select_n3A_173 = arith.constant true
        %select_n3A_174 = arith.select %select_n3A_173, %add3A_172, %scan3A_156 : i32
        %eq3A_175 = arith.constant 200 : i32
        %eq3A_176 = arith.cmpi eq, %select_n3A_174, %eq3A_175 : i32
        %select_n3A_177 = arith.constant 0 : i32
        %select_n3A_178 = arith.select %eq3A_176, %select_n3A_177, %select_n3A_174 : i32
        %add3A_179 = arith.addi %select_n3A_178, %mul3A_6 : i32
        %add3A_180 = arith.constant 1 : i32
        %add3A_181 = arith.addi %select_n3A_178, %add3A_180 : i32
        %select_n3A_182 = arith.constant true
        %select_n3A_183 = arith.select %select_n3A_182, %add3A_181, %select_n3A_178 : i32
        %eq3A_184 = arith.constant 200 : i32
        %eq3A_185 = arith.cmpi eq, %select_n3A_183, %eq3A_184 : i32
        %select_n3A_186 = arith.constant 0 : i32
        %select_n3A_187 = arith.select %eq3A_185, %select_n3A_186, %select_n3A_183 : i32
        %add3A_188 = arith.addi %select_n3A_187, %mul3A_6 : i32
        %ne3A = arith.cmpi ne, %add3A_161, %add3A_179 : i32
        %or3A = arith.constant false
        %or3A_189 = arith.ori %or3A, %ne3A : i1
        %ge3A = arith.constant 199 : i32
        %ge3A_190 = arith.cmpi sge, %scan3A_149, %ge3A : i32
        %not3A = arith.constant true
        %not3A_191 = arith.xori %ge3A_190, %not3A : i1
        %and3A = arith.andi %or3A_189, %not3A_191 : i1
        %convert_element_type3A = arith.extui %and3A : i1 to i32
        %cond3A = arith.constant 0 : i32
        %cond3A_192 = arith.cmpi ne, %convert_element_type3A, %cond3A : i32
        scf.if %cond3A_192 {
          "tpu.trace_start"() <{level = 10 : i32, message = "ep_copy_in"}> : () -> ()
          %rem3A_352 = arith.constant 2 : i32
          %rem3A_353 = arith.remui %scan3A_150, %rem3A_352 : i32
          %mul3A_354 = arith.constant 128 : i32
          %mul3A_355 = arith.muli %mul3A_354, %add3A_179 : i32
          %dma_start3A_356 = arith.constant 0 : i32
          %dma_start3A_357 = arith.constant 0 : i32
          %dma_start3A_358 = tpu.memref_slice %run_scoped3A[%rem3A_353, %dma_start3A_356, %dma_start3A_357] : memref<2x1x128xi32, #tpu.memory_space<vmem>> -> memref<1x1x128xi32, #tpu.memory_space<vmem>>
          %dma_start3A_359 = tpu.memref_squeeze %dma_start3A_358 : memref<1x1x128xi32, #tpu.memory_space<vmem>> -> memref<1x128xi32, #tpu.memory_space<vmem>>
          %dma_start3A_360 = arith.constant 0 : i32
          %dma_start3A_361 = tpu.memref_slice %arg4[%dma_start3A_360, %mul3A_355] : memref<1x819200xi32, #tpu.memory_space<hbm>> -> memref<1x128xi32, #tpu.memory_space<hbm>>
          %dma_start3A_362 = tpu.memref_slice %run_scoped3A_7[%rem3A_353] : memref<2x!tpu.dma_semaphore, #tpu.memory_space<semaphore_mem>> -> memref<1x!tpu.dma_semaphore, #tpu.memory_space<semaphore_mem>>
          %dma_start3A_363 = tpu.memref_squeeze %dma_start3A_362 : memref<1x!tpu.dma_semaphore, #tpu.memory_space<semaphore_mem>> -> memref<!tpu.dma_semaphore, #tpu.memory_space<semaphore_mem>>
          %dma_start3A_364 = arith.constant 0 : i32
          %dma_start3A_365 = arith.constant 0 : i32
          %dma_start3A_366 = tpu.memref_slice %run_scoped3A[%rem3A_353, %dma_start3A_364, %dma_start3A_365] : memref<2x1x128xi32, #tpu.memory_space<vmem>> -> memref<1x1x128xi32, #tpu.memory_space<vmem>>
          %dma_start3A_367 = tpu.memref_squeeze %dma_start3A_366 : memref<1x1x128xi32, #tpu.memory_space<vmem>> -> memref<1x128xi32, #tpu.memory_space<vmem>>
          %dma_start3A_368 = arith.constant 0 : i32
          %dma_start3A_369 = tpu.memref_slice %arg4[%dma_start3A_368, %mul3A_355] : memref<1x819200xi32, #tpu.memory_space<hbm>> -> memref<1x128xi32, #tpu.memory_space<hbm>>
          tpu.enqueue_dma source(%dma_start3A_369 : memref<1x128xi32, #tpu.memory_space<hbm>>) target(%dma_start3A_367 : memref<1x128xi32, #tpu.memory_space<vmem>>) target_semaphore(%dma_start3A_363 : memref<!tpu.dma_semaphore, #tpu.memory_space<semaphore_mem>>)
          "tpu.trace_stop"() : () -> ()
        } else {
        }
        %and3A_193 = arith.constant true
        %and3A_194 = arith.andi %and3A, %and3A_193 : i1
        %add3A_195 = arith.constant 1 : i32
        %add3A_196 = arith.addi %scan3A_150, %add3A_195 : i32
        %select_n3A_197 = arith.select %and3A_194, %add3A_196, %scan3A_150 : i32
        %ne3A_198 = arith.cmpi ne, %add3A_161, %add3A_179 : i32
        %or3A_199 = arith.constant false
        %or3A_200 = arith.ori %or3A_199, %ne3A_198 : i1
        %ge3A_201 = arith.constant 199 : i32
        %ge3A_202 = arith.cmpi sge, %scan3A_149, %ge3A_201 : i32
        %not3A_203 = arith.constant true
        %not3A_204 = arith.xori %ge3A_202, %not3A_203 : i1
        %and3A_205 = arith.andi %or3A_200, %not3A_204 : i1
        %convert_element_type3A_206 = arith.extui %and3A_205 : i1 to i32
        %cond3A_207 = arith.constant 0 : i32
        %cond3A_208 = arith.cmpi ne, %convert_element_type3A_206, %cond3A_207 : i32
        scf.if %cond3A_208 {
          "tpu.trace_start"() <{level = 10 : i32, message = "ep_copy_in"}> : () -> ()
          %rem3A_352 = arith.constant 2 : i32
          %rem3A_353 = arith.remui %scan3A_152, %rem3A_352 : i32
          %mul3A_354 = arith.constant 128 : i32
          %mul3A_355 = arith.muli %mul3A_354, %add3A_179 : i32
          %dma_start3A_356 = arith.constant 0 : i32
          %dma_start3A_357 = arith.constant 0 : i32
          %dma_start3A_358 = tpu.memref_slice %run_scoped3A_8[%rem3A_353, %dma_start3A_356, %dma_start3A_357] : memref<2x1x128xi32, #tpu.memory_space<vmem>> -> memref<1x1x128xi32, #tpu.memory_space<vmem>>
          %dma_start3A_359 = tpu.memref_squeeze %dma_start3A_358 : memref<1x1x128xi32, #tpu.memory_space<vmem>> -> memref<1x128xi32, #tpu.memory_space<vmem>>
          %dma_start3A_360 = arith.constant 0 : i32
          %dma_start3A_361 = tpu.memref_slice %arg5[%dma_start3A_360, %mul3A_355] : memref<1x819200xi32, #tpu.memory_space<hbm>> -> memref<1x128xi32, #tpu.memory_space<hbm>>
          %dma_start3A_362 = tpu.memref_slice %run_scoped3A_9[%rem3A_353] : memref<2x!tpu.dma_semaphore, #tpu.memory_space<semaphore_mem>> -> memref<1x!tpu.dma_semaphore, #tpu.memory_space<semaphore_mem>>
          %dma_start3A_363 = tpu.memref_squeeze %dma_start3A_362 : memref<1x!tpu.dma_semaphore, #tpu.memory_space<semaphore_mem>> -> memref<!tpu.dma_semaphore, #tpu.memory_space<semaphore_mem>>
          %dma_start3A_364 = arith.constant 0 : i32
          %dma_start3A_365 = arith.constant 0 : i32
          %dma_start3A_366 = tpu.memref_slice %run_scoped3A_8[%rem3A_353, %dma_start3A_364, %dma_start3A_365] : memref<2x1x128xi32, #tpu.memory_space<vmem>> -> memref<1x1x128xi32, #tpu.memory_space<vmem>>
          %dma_start3A_367 = tpu.memref_squeeze %dma_start3A_366 : memref<1x1x128xi32, #tpu.memory_space<vmem>> -> memref<1x128xi32, #tpu.memory_space<vmem>>
          %dma_start3A_368 = arith.constant 0 : i32
          %dma_start3A_369 = tpu.memref_slice %arg5[%dma_start3A_368, %mul3A_355] : memref<1x819200xi32, #tpu.memory_space<hbm>> -> memref<1x128xi32, #tpu.memory_space<hbm>>
          tpu.enqueue_dma source(%dma_start3A_369 : memref<1x128xi32, #tpu.memory_space<hbm>>) target(%dma_start3A_367 : memref<1x128xi32, #tpu.memory_space<vmem>>) target_semaphore(%dma_start3A_363 : memref<!tpu.dma_semaphore, #tpu.memory_space<semaphore_mem>>)
          "tpu.trace_stop"() : () -> ()
        } else {
        }
        %and3A_209 = arith.constant true
        %and3A_210 = arith.andi %and3A_205, %and3A_209 : i1
        %add3A_211 = arith.constant 1 : i32
        %add3A_212 = arith.addi %scan3A_152, %add3A_211 : i32
        %select_n3A_213 = arith.select %and3A_210, %add3A_212, %scan3A_152 : i32
        %ne3A_214 = arith.cmpi ne, %add3A_161, %add3A_179 : i32
        %or3A_215 = arith.constant false
        %or3A_216 = arith.ori %or3A_215, %ne3A_214 : i1
        %or3A_217 = arith.constant false
        %or3A_218 = arith.ori %or3A_216, %or3A_217 : i1
        %ge3A_219 = arith.constant 199 : i32
        %ge3A_220 = arith.cmpi sge, %scan3A_149, %ge3A_219 : i32
        %not3A_221 = arith.constant true
        %not3A_222 = arith.xori %ge3A_220, %not3A_221 : i1
        %and3A_223 = arith.andi %or3A_218, %not3A_222 : i1
        %ne3A_224 = arith.cmpi ne, %add3A_161, %add3A_170 : i32
        %or3A_225 = arith.constant false
        %or3A_226 = arith.ori %or3A_225, %ne3A_224 : i1
        %or3A_227 = arith.ori %or3A_226, %eq3A_158 : i1
        %convert_element_type3A_228 = arith.extui %or3A_227 : i1 to i32
        %cond3A_229 = arith.constant 0 : i32
        %cond3A_230 = arith.cmpi ne, %convert_element_type3A_228, %cond3A_229 : i32
        scf.if %cond3A_230 {
          "tpu.trace_start"() <{level = 10 : i32, message = "ep_wait_in"}> : () -> ()
          %mul3A_352 = arith.constant 128 : i32
          %mul3A_353 = arith.muli %mul3A_352, %add3A_161 : i32
          %rem3A_354 = arith.constant 2 : i32
          %rem3A_355 = arith.remui %scan3A_151, %rem3A_354 : i32
          %dma_wait3A_356 = arith.constant 0 : i32
          %dma_wait3A_357 = arith.constant 0 : i32
          %dma_wait3A_358 = tpu.memref_slice %run_scoped3A[%rem3A_355, %dma_wait3A_356, %dma_wait3A_357] : memref<2x1x128xi32, #tpu.memory_space<vmem>> -> memref<1x1x128xi32, #tpu.memory_space<vmem>>
          %dma_wait3A_359 = tpu.memref_squeeze %dma_wait3A_358 : memref<1x1x128xi32, #tpu.memory_space<vmem>> -> memref<1x128xi32, #tpu.memory_space<vmem>>
          %dma_wait3A_360 = arith.constant 0 : i32
          %dma_wait3A_361 = tpu.memref_slice %arg4[%dma_wait3A_360, %mul3A_353] : memref<1x819200xi32, #tpu.memory_space<hbm>> -> memref<1x128xi32, #tpu.memory_space<hbm>>
          %dma_wait3A_362 = tpu.memref_slice %run_scoped3A_7[%rem3A_355] : memref<2x!tpu.dma_semaphore, #tpu.memory_space<semaphore_mem>> -> memref<1x!tpu.dma_semaphore, #tpu.memory_space<semaphore_mem>>
          %dma_wait3A_363 = tpu.memref_squeeze %dma_wait3A_362 : memref<1x!tpu.dma_semaphore, #tpu.memory_space<semaphore_mem>> -> memref<!tpu.dma_semaphore, #tpu.memory_space<semaphore_mem>>
          %dma_wait3A_364 = arith.constant 0 : i32
          %dma_wait3A_365 = arith.constant 0 : i32
          %dma_wait3A_366 = tpu.memref_slice %run_scoped3A[%rem3A_355, %dma_wait3A_364, %dma_wait3A_365] : memref<2x1x128xi32, #tpu.memory_space<vmem>> -> memref<1x1x128xi32, #tpu.memory_space<vmem>>
          %dma_wait3A_367 = tpu.memref_squeeze %dma_wait3A_366 : memref<1x1x128xi32, #tpu.memory_space<vmem>> -> memref<1x128xi32, #tpu.memory_space<vmem>>
          %dma_wait3A_368 = arith.constant 0 : i32
          %dma_wait3A_369 = tpu.memref_slice %arg4[%dma_wait3A_368, %mul3A_353] : memref<1x819200xi32, #tpu.memory_space<hbm>> -> memref<1x128xi32, #tpu.memory_space<hbm>>
          tpu.wait_dma2 semaphore(%dma_wait3A_363 : memref<!tpu.dma_semaphore, #tpu.memory_space<semaphore_mem>>) src(%dma_wait3A_369 : memref<1x128xi32, #tpu.memory_space<hbm>>) dst(%dma_wait3A_367 : memref<1x128xi32, #tpu.memory_space<vmem>>)
          "tpu.trace_stop"() : () -> ()
        } else {
        }
        %ne3A_231 = arith.cmpi ne, %add3A_161, %add3A_170 : i32
        %or3A_232 = arith.constant false
        %or3A_233 = arith.ori %or3A_232, %ne3A_231 : i1
        %or3A_234 = arith.ori %or3A_233, %eq3A_158 : i1
        %convert_element_type3A_235 = arith.extui %or3A_234 : i1 to i32
        %cond3A_236 = arith.constant 0 : i32
        %cond3A_237 = arith.cmpi ne, %convert_element_type3A_235, %cond3A_236 : i32
        scf.if %cond3A_237 {
          "tpu.trace_start"() <{level = 10 : i32, message = "ep_wait_in"}> : () -> ()
          %mul3A_352 = arith.constant 128 : i32
          %mul3A_353 = arith.muli %mul3A_352, %add3A_161 : i32
          %rem3A_354 = arith.constant 2 : i32
          %rem3A_355 = arith.remui %scan3A_153, %rem3A_354 : i32
          %dma_wait3A_356 = arith.constant 0 : i32
          %dma_wait3A_357 = arith.constant 0 : i32
          %dma_wait3A_358 = tpu.memref_slice %run_scoped3A_8[%rem3A_355, %dma_wait3A_356, %dma_wait3A_357] : memref<2x1x128xi32, #tpu.memory_space<vmem>> -> memref<1x1x128xi32, #tpu.memory_space<vmem>>
          %dma_wait3A_359 = tpu.memref_squeeze %dma_wait3A_358 : memref<1x1x128xi32, #tpu.memory_space<vmem>> -> memref<1x128xi32, #tpu.memory_space<vmem>>
          %dma_wait3A_360 = arith.constant 0 : i32
          %dma_wait3A_361 = tpu.memref_slice %arg5[%dma_wait3A_360, %mul3A_353] : memref<1x819200xi32, #tpu.memory_space<hbm>> -> memref<1x128xi32, #tpu.memory_space<hbm>>
          %dma_wait3A_362 = tpu.memref_slice %run_scoped3A_9[%rem3A_355] : memref<2x!tpu.dma_semaphore, #tpu.memory_space<semaphore_mem>> -> memref<1x!tpu.dma_semaphore, #tpu.memory_space<semaphore_mem>>
          %dma_wait3A_363 = tpu.memref_squeeze %dma_wait3A_362 : memref<1x!tpu.dma_semaphore, #tpu.memory_space<semaphore_mem>> -> memref<!tpu.dma_semaphore, #tpu.memory_space<semaphore_mem>>
          %dma_wait3A_364 = arith.constant 0 : i32
          %dma_wait3A_365 = arith.constant 0 : i32
          %dma_wait3A_366 = tpu.memref_slice %run_scoped3A_8[%rem3A_355, %dma_wait3A_364, %dma_wait3A_365] : memref<2x1x128xi32, #tpu.memory_space<vmem>> -> memref<1x1x128xi32, #tpu.memory_space<vmem>>
          %dma_wait3A_367 = tpu.memref_squeeze %dma_wait3A_366 : memref<1x1x128xi32, #tpu.memory_space<vmem>> -> memref<1x128xi32, #tpu.memory_space<vmem>>
          %dma_wait3A_368 = arith.constant 0 : i32
          %dma_wait3A_369 = tpu.memref_slice %arg5[%dma_wait3A_368, %mul3A_353] : memref<1x819200xi32, #tpu.memory_space<hbm>> -> memref<1x128xi32, #tpu.memory_space<hbm>>
          tpu.wait_dma2 semaphore(%dma_wait3A_363 : memref<!tpu.dma_semaphore, #tpu.memory_space<semaphore_mem>>) src(%dma_wait3A_369 : memref<1x128xi32, #tpu.memory_space<hbm>>) dst(%dma_wait3A_367 : memref<1x128xi32, #tpu.memory_space<vmem>>)
          "tpu.trace_stop"() : () -> ()
        } else {
        }
        %ne3A_238 = arith.cmpi ne, %add3A_161, %add3A_170 : i32
        %or3A_239 = arith.constant false
        %or3A_240 = arith.ori %or3A_239, %ne3A_238 : i1
        %or3A_241 = arith.constant false
        %or3A_242 = arith.ori %or3A_240, %or3A_241 : i1
        %or3A_243 = arith.ori %or3A_242, %eq3A_158 : i1
        %convert_element_type3A_244 = arith.extui %or3A_243 : i1 to i32
        %cond3A_245 = arith.constant 0 : i32
        %cond3A_246 = arith.cmpi ne, %convert_element_type3A_244, %cond3A_245 : i32
        scf.if %cond3A_246 {
        } else {
        }
        %rem3A_247 = arith.constant 2 : i32
        %rem3A_248 = arith.remui %scan3A_151, %rem3A_247 : i32
        %rem3A_249 = arith.constant 2 : i32
        %rem3A_250 = arith.remui %scan3A_153, %rem3A_249 : i32
        %rem3A_251 = arith.constant 2 : i32
        %rem3A_252 = arith.remui %scan3A_154, %rem3A_251 : i32
        %run_scoped3A_253 = arith.constant 0 : i32
        "tpu.trace_start"() <{level = 10 : i32, message = "ep_run_kernel"}> : () -> ()
        "tpu.region"() ({
          %run_scoped3A_352 = tpu.sem_alloc : memref<!tpu.dma_semaphore, #tpu.memory_space<semaphore_mem>>
          %dma_start3A_353 = arith.constant 0 : i32
          %dma_start3A_354 = arith.constant 0 : i32
          %dma_start3A_355 = tpu.memref_slice %run_scoped3A_10[%rem3A_252, %dma_start3A_353, %dma_start3A_354] : memref<2x128x64xf32, #tpu.memory_space<vmem>> -> memref<1x128x64xf32, #tpu.memory_space<vmem>>
          %dma_start3A_356 = tpu.memref_squeeze %dma_start3A_355 : memref<1x128x64xf32, #tpu.memory_space<vmem>> -> memref<128x64xf32, #tpu.memory_space<vmem>>
          %dma_start3A_357 = arith.constant 0 : i32
          %dma_start3A_358 = arith.constant 0 : i32
          %dma_start3A_359 = tpu.memref_slice %run_scoped3A[%rem3A_248, %dma_start3A_357, %dma_start3A_358] : memref<2x1x128xi32, #tpu.memory_space<vmem>> -> memref<1x1x128xi32, #tpu.memory_space<vmem>>
          %dma_start3A_360 = tpu.memref_squeeze %dma_start3A_359 : memref<1x1x128xi32, #tpu.memory_space<vmem>> -> memref<1x128xi32, #tpu.memory_space<vmem>>
          %dma_start3A_361 = arith.constant 0 : i32
          %dma_start3A_362 = tpu.memref_slice %dma_start3A_360[%run_scoped3A_253, %dma_start3A_361] : memref<1x128xi32, #tpu.memory_space<vmem>> -> memref<1x128xi32, #tpu.memory_space<vmem>>
          %dma_start3A_363 = tpu.memref_squeeze %dma_start3A_362 : memref<1x128xi32, #tpu.memory_space<vmem>> -> memref<128xi32, #tpu.memory_space<vmem>>
          %dma_start3A_364 = arith.constant 0 : i32
          %dma_start3A_365 = arith.constant 0 : i32
          %dma_start3A_366 = tpu.memref_slice %arg2[%dma_start3A_364, %dma_start3A_365] : memref<1000000x64xf32, #tpu.memory_space<hbm>> -> memref<1000000x64xf32, #tpu.memory_space<hbm>>
          tpu.enqueue_indirect_dma source(%dma_start3A_366 : memref<1000000x64xf32, #tpu.memory_space<hbm>>) target(%dma_start3A_356 : memref<128x64xf32, #tpu.memory_space<vmem>>) offsets(%dma_start3A_363 : memref<128xi32, #tpu.memory_space<vmem>>) semaphore(%run_scoped3A_352 : memref<!tpu.dma_semaphore, #tpu.memory_space<semaphore_mem>>)
          %dma_wait3A_367 = arith.constant 0 : i32
          %dma_wait3A_368 = arith.constant 0 : i32
          %dma_wait3A_369 = tpu.memref_slice %run_scoped3A_10[%rem3A_252, %dma_wait3A_367, %dma_wait3A_368] : memref<2x128x64xf32, #tpu.memory_space<vmem>> -> memref<1x128x64xf32, #tpu.memory_space<vmem>>
          %dma_wait3A_370 = tpu.memref_squeeze %dma_wait3A_369 : memref<1x128x64xf32, #tpu.memory_space<vmem>> -> memref<128x64xf32, #tpu.memory_space<vmem>>
          %dma_wait3A_371 = arith.constant 0 : i32
          %dma_wait3A_372 = arith.constant 0 : i32
          %dma_wait3A_373 = tpu.memref_slice %run_scoped3A[%rem3A_248, %dma_wait3A_371, %dma_wait3A_372] : memref<2x1x128xi32, #tpu.memory_space<vmem>> -> memref<1x1x128xi32, #tpu.memory_space<vmem>>
          %dma_wait3A_374 = tpu.memref_squeeze %dma_wait3A_373 : memref<1x1x128xi32, #tpu.memory_space<vmem>> -> memref<1x128xi32, #tpu.memory_space<vmem>>
          %dma_wait3A_375 = arith.constant 0 : i32
          %dma_wait3A_376 = tpu.memref_slice %dma_wait3A_374[%run_scoped3A_253, %dma_wait3A_375] : memref<1x128xi32, #tpu.memory_space<vmem>> -> memref<1x128xi32, #tpu.memory_space<vmem>>
          %dma_wait3A_377 = tpu.memref_squeeze %dma_wait3A_376 : memref<1x128xi32, #tpu.memory_space<vmem>> -> memref<128xi32, #tpu.memory_space<vmem>>
          %dma_wait3A_378 = arith.constant 0 : i32
          %dma_wait3A_379 = arith.constant 0 : i32
          %dma_wait3A_380 = tpu.memref_slice %arg2[%dma_wait3A_378, %dma_wait3A_379] : memref<1000000x64xf32, #tpu.memory_space<hbm>> -> memref<1000000x64xf32, #tpu.memory_space<hbm>>
          tpu.wait_indirect_dma semaphore(%run_scoped3A_352 : memref<!tpu.dma_semaphore, #tpu.memory_space<semaphore_mem>>) src(%dma_wait3A_380 : memref<1000000x64xf32, #tpu.memory_space<hbm>>) dst(%dma_wait3A_370 : memref<128x64xf32, #tpu.memory_space<vmem>>)
          tpu.yield
        }) : () -> ()
        %run_scoped3A_254 = arith.constant 0 : i32
        "tpu.region"() ({
          %run_scoped3A_352 = tpu.sem_alloc : memref<!tpu.dma_semaphore, #tpu.memory_space<semaphore_mem>>
          %dma_start3A_353 = arith.constant 0 : i32
          %dma_start3A_354 = arith.constant 0 : i32
          %dma_start3A_355 = tpu.memref_slice %run_scoped3A_8[%rem3A_250, %dma_start3A_353, %dma_start3A_354] : memref<2x1x128xi32, #tpu.memory_space<vmem>> -> memref<1x1x128xi32, #tpu.memory_space<vmem>>
          %dma_start3A_356 = tpu.memref_squeeze %dma_start3A_355 : memref<1x1x128xi32, #tpu.memory_space<vmem>> -> memref<1x128xi32, #tpu.memory_space<vmem>>
          %dma_start3A_357 = arith.constant 0 : i32
          %dma_start3A_358 = tpu.memref_slice %dma_start3A_356[%run_scoped3A_254, %dma_start3A_357] : memref<1x128xi32, #tpu.memory_space<vmem>> -> memref<1x128xi32, #tpu.memory_space<vmem>>
          %dma_start3A_359 = tpu.memref_squeeze %dma_start3A_358 : memref<1x128xi32, #tpu.memory_space<vmem>> -> memref<128xi32, #tpu.memory_space<vmem>>
          %dma_start3A_360 = arith.constant 0 : i32
          %dma_start3A_361 = arith.constant 0 : i32
          %dma_start3A_362 = tpu.memref_slice %arg3[%dma_start3A_360, %dma_start3A_361] : memref<200x64xf32, #tpu.memory_space<hbm>> -> memref<200x64xf32, #tpu.memory_space<hbm>>
          tpu.enqueue_indirect_dma source(%dma_start3A_362 : memref<200x64xf32, #tpu.memory_space<hbm>>) target(%arg7 : memref<128x64xf32, #tpu.memory_space<vmem>>) offsets(%dma_start3A_359 : memref<128xi32, #tpu.memory_space<vmem>>) semaphore(%run_scoped3A_352 : memref<!tpu.dma_semaphore, #tpu.memory_space<semaphore_mem>>)
          %dma_wait3A_363 = arith.constant 0 : i32
          %dma_wait3A_364 = arith.constant 0 : i32
          %dma_wait3A_365 = tpu.memref_slice %run_scoped3A_8[%rem3A_250, %dma_wait3A_363, %dma_wait3A_364] : memref<2x1x128xi32, #tpu.memory_space<vmem>> -> memref<1x1x128xi32, #tpu.memory_space<vmem>>
          %dma_wait3A_366 = tpu.memref_squeeze %dma_wait3A_365 : memref<1x1x128xi32, #tpu.memory_space<vmem>> -> memref<1x128xi32, #tpu.memory_space<vmem>>
          %dma_wait3A_367 = arith.constant 0 : i32
          %dma_wait3A_368 = tpu.memref_slice %dma_wait3A_366[%run_scoped3A_254, %dma_wait3A_367] : memref<1x128xi32, #tpu.memory_space<vmem>> -> memref<1x128xi32, #tpu.memory_space<vmem>>
          %dma_wait3A_369 = tpu.memref_squeeze %dma_wait3A_368 : memref<1x128xi32, #tpu.memory_space<vmem>> -> memref<128xi32, #tpu.memory_space<vmem>>
          %dma_wait3A_370 = arith.constant 0 : i32
          %dma_wait3A_371 = arith.constant 0 : i32
          %dma_wait3A_372 = tpu.memref_slice %arg3[%dma_wait3A_370, %dma_wait3A_371] : memref<200x64xf32, #tpu.memory_space<hbm>> -> memref<200x64xf32, #tpu.memory_space<hbm>>
          tpu.wait_indirect_dma semaphore(%run_scoped3A_352 : memref<!tpu.dma_semaphore, #tpu.memory_space<semaphore_mem>>) src(%dma_wait3A_372 : memref<200x64xf32, #tpu.memory_space<hbm>>) dst(%arg7 : memref<128x64xf32, #tpu.memory_space<vmem>>)
          tpu.yield
        }) : () -> ()
        %scan3A_255 = arith.constant 0 : i32
        %scan3A_256 = arith.constant 128 : i32
        %scan3A_257 = arith.addi %scan3A_255, %scan3A_256 : i32
        %scan3A_258 = arith.constant 1 : i32
        scf.for %scan3A_352 = %scan3A_255 to %scan3A_257 step %scan3A_258  : i32 {
          %mul3A_353 = arith.constant 1 : i32
          %mul3A_354 = arith.muli %scan3A_352, %mul3A_353 : i32
          %add3A_355 = arith.constant 0 : i32
          %add3A_356 = arith.addi %add3A_355, %mul3A_354 : i32
          %get3A = arith.constant 0 : i32
          %get3A_357 = arith.constant 0 : i32
          %get3A_358 = tpu.memref_slice %run_scoped3A_10[%rem3A_252, %get3A, %get3A_357] : memref<2x128x64xf32, #tpu.memory_space<vmem>> -> memref<1x128x64xf32, #tpu.memory_space<vmem>>
          %get3A_359 = tpu.memref_squeeze %get3A_358 : memref<1x128x64xf32, #tpu.memory_space<vmem>> -> memref<128x64xf32, #tpu.memory_space<vmem>>
          %get3A_360 = arith.index_cast %add3A_356 : i32 to index
          %get3A_361 = arith.constant 0 : index
          %get3A_362 = tpu.vector_load %get3A_359[%get3A_360, %get3A_361] {strides = array<i32>} : memref<128x64xf32, #tpu.memory_space<vmem>>, vector<1x16xf32>,
          %get3A_363 = vector.shape_cast %get3A_362 : vector<1x16xf32> to vector<16xf32>
          %get3A_364 = arith.index_cast %add3A_356 : i32 to index
          %get3A_365 = arith.constant 0 : index
          %get3A_366 = tpu.vector_load %arg7[%get3A_364, %get3A_365] {strides = array<i32>} : memref<128x64xf32, #tpu.memory_space<vmem>>, vector<1x16xf32>,
          %get3A_367 = vector.shape_cast %get3A_366 : vector<1x16xf32> to vector<16xf32>
          %add3A_368 = arith.addf %get3A_363, %get3A_367 : vector<16xf32>
          %swap3A = arith.constant 0 : i32
          %swap3A_369 = arith.constant 0 : i32
          %swap3A_370 = tpu.memref_slice %run_scoped3A_10[%rem3A_252, %swap3A, %swap3A_369] : memref<2x128x64xf32, #tpu.memory_space<vmem>> -> memref<1x128x64xf32, #tpu.memory_space<vmem>>
          %swap3A_371 = tpu.memref_squeeze %swap3A_370 : memref<1x128x64xf32, #tpu.memory_space<vmem>> -> memref<128x64xf32, #tpu.memory_space<vmem>>
          %swap3A_372 = arith.index_cast %add3A_356 : i32 to index
          %swap3A_373 = arith.constant 0 : index
          %swap3A_374 = tpu.vector_load %swap3A_371[%swap3A_372, %swap3A_373] {strides = array<i32>} : memref<128x64xf32, #tpu.memory_space<vmem>>, vector<1x16xf32>,
          %swap3A_375 = vector.shape_cast %swap3A_374 : vector<1x16xf32> to vector<16xf32>
          %swap3A_376 = vector.shape_cast %add3A_368 : vector<16xf32> to vector<1x16xf32>
          tpu.vector_store %swap3A_371[%swap3A_372, %swap3A_373], %swap3A_376 {strides = array<i32>} : memref<128x64xf32, #tpu.memory_space<vmem>>, vector<1x16xf32>,
          %get3A_377 = arith.constant 0 : i32
          %get3A_378 = arith.constant 0 : i32
          %get3A_379 = tpu.memref_slice %run_scoped3A_10[%rem3A_252, %get3A_377, %get3A_378] : memref<2x128x64xf32, #tpu.memory_space<vmem>> -> memref<1x128x64xf32, #tpu.memory_space<vmem>>
          %get3A_380 = tpu.memref_squeeze %get3A_379 : memref<1x128x64xf32, #tpu.memory_space<vmem>> -> memref<128x64xf32, #tpu.memory_space<vmem>>
          %get3A_381 = arith.index_cast %add3A_356 : i32 to index
          %get3A_382 = arith.constant 16 : index
          %get3A_383 = tpu.vector_load %get3A_380[%get3A_381, %get3A_382] {strides = array<i32>} : memref<128x64xf32, #tpu.memory_space<vmem>>, vector<1x16xf32>,
          %get3A_384 = vector.shape_cast %get3A_383 : vector<1x16xf32> to vector<16xf32>
          %get3A_385 = arith.index_cast %add3A_356 : i32 to index
          %get3A_386 = arith.constant 16 : index
          %get3A_387 = tpu.vector_load %arg7[%get3A_385, %get3A_386] {strides = array<i32>} : memref<128x64xf32, #tpu.memory_space<vmem>>, vector<1x16xf32>,
          %get3A_388 = vector.shape_cast %get3A_387 : vector<1x16xf32> to vector<16xf32>
          %add3A_389 = arith.addf %get3A_384, %get3A_388 : vector<16xf32>
          %swap3A_390 = arith.constant 0 : i32
          %swap3A_391 = arith.constant 0 : i32
          %swap3A_392 = tpu.memref_slice %run_scoped3A_10[%rem3A_252, %swap3A_390, %swap3A_391] : memref<2x128x64xf32, #tpu.memory_space<vmem>> -> memref<1x128x64xf32, #tpu.memory_space<vmem>>
          %swap3A_393 = tpu.memref_squeeze %swap3A_392 : memref<1x128x64xf32, #tpu.memory_space<vmem>> -> memref<128x64xf32, #tpu.memory_space<vmem>>
          %swap3A_394 = arith.index_cast %add3A_356 : i32 to index
          %swap3A_395 = arith.constant 16 : index
          %swap3A_396 = tpu.vector_load %swap3A_393[%swap3A_394, %swap3A_395] {strides = array<i32>} : memref<128x64xf32, #tpu.memory_space<vmem>>, vector<1x16xf32>,
          %swap3A_397 = vector.shape_cast %swap3A_396 : vector<1x16xf32> to vector<16xf32>
          %swap3A_398 = vector.shape_cast %add3A_389 : vector<16xf32> to vector<1x16xf32>
          tpu.vector_store %swap3A_393[%swap3A_394, %swap3A_395], %swap3A_398 {strides = array<i32>} : memref<128x64xf32, #tpu.memory_space<vmem>>, vector<1x16xf32>,
          %get3A_399 = arith.constant 0 : i32
          %get3A_400 = arith.constant 0 : i32
          %get3A_401 = tpu.memref_slice %run_scoped3A_10[%rem3A_252, %get3A_399, %get3A_400] : memref<2x128x64xf32, #tpu.memory_space<vmem>> -> memref<1x128x64xf32, #tpu.memory_space<vmem>>
          %get3A_402 = tpu.memref_squeeze %get3A_401 : memref<1x128x64xf32, #tpu.memory_space<vmem>> -> memref<128x64xf32, #tpu.memory_space<vmem>>
          %get3A_403 = arith.index_cast %add3A_356 : i32 to index
          %get3A_404 = arith.constant 32 : index
          %get3A_405 = tpu.vector_load %get3A_402[%get3A_403, %get3A_404] {strides = array<i32>} : memref<128x64xf32, #tpu.memory_space<vmem>>, vector<1x16xf32>,
          %get3A_406 = vector.shape_cast %get3A_405 : vector<1x16xf32> to vector<16xf32>
          %get3A_407 = arith.index_cast %add3A_356 : i32 to index
          %get3A_408 = arith.constant 32 : index
          %get3A_409 = tpu.vector_load %arg7[%get3A_407, %get3A_408] {strides = array<i32>} : memref<128x64xf32, #tpu.memory_space<vmem>>, vector<1x16xf32>,
          %get3A_410 = vector.shape_cast %get3A_409 : vector<1x16xf32> to vector<16xf32>
          %add3A_411 = arith.addf %get3A_406, %get3A_410 : vector<16xf32>
          %swap3A_412 = arith.constant 0 : i32
          %swap3A_413 = arith.constant 0 : i32
          %swap3A_414 = tpu.memref_slice %run_scoped3A_10[%rem3A_252, %swap3A_412, %swap3A_413] : memref<2x128x64xf32, #tpu.memory_space<vmem>> -> memref<1x128x64xf32, #tpu.memory_space<vmem>>
          %swap3A_415 = tpu.memref_squeeze %swap3A_414 : memref<1x128x64xf32, #tpu.memory_space<vmem>> -> memref<128x64xf32, #tpu.memory_space<vmem>>
          %swap3A_416 = arith.index_cast %add3A_356 : i32 to index
          %swap3A_417 = arith.constant 32 : index
          %swap3A_418 = tpu.vector_load %swap3A_415[%swap3A_416, %swap3A_417] {strides = array<i32>} : memref<128x64xf32, #tpu.memory_space<vmem>>, vector<1x16xf32>,
          %swap3A_419 = vector.shape_cast %swap3A_418 : vector<1x16xf32> to vector<16xf32>
          %swap3A_420 = vector.shape_cast %add3A_411 : vector<16xf32> to vector<1x16xf32>
          tpu.vector_store %swap3A_415[%swap3A_416, %swap3A_417], %swap3A_420 {strides = array<i32>} : memref<128x64xf32, #tpu.memory_space<vmem>>, vector<1x16xf32>,
          %get3A_421 = arith.constant 0 : i32
          %get3A_422 = arith.constant 0 : i32
          %get3A_423 = tpu.memref_slice %run_scoped3A_10[%rem3A_252, %get3A_421, %get3A_422] : memref<2x128x64xf32, #tpu.memory_space<vmem>> -> memref<1x128x64xf32, #tpu.memory_space<vmem>>
          %get3A_424 = tpu.memref_squeeze %get3A_423 : memref<1x128x64xf32, #tpu.memory_space<vmem>> -> memref<128x64xf32, #tpu.memory_space<vmem>>
          %get3A_425 = arith.index_cast %add3A_356 : i32 to index
          %get3A_426 = arith.constant 48 : index
          %get3A_427 = tpu.vector_load %get3A_424[%get3A_425, %get3A_426] {strides = array<i32>} : memref<128x64xf32, #tpu.memory_space<vmem>>, vector<1x16xf32>,
          %get3A_428 = vector.shape_cast %get3A_427 : vector<1x16xf32> to vector<16xf32>
          %get3A_429 = arith.index_cast %add3A_356 : i32 to index
          %get3A_430 = arith.constant 48 : index
          %get3A_431 = tpu.vector_load %arg7[%get3A_429, %get3A_430] {strides = array<i32>} : memref<128x64xf32, #tpu.memory_space<vmem>>, vector<1x16xf32>,
          %get3A_432 = vector.shape_cast %get3A_431 : vector<1x16xf32> to vector<16xf32>
          %add3A_433 = arith.addf %get3A_428, %get3A_432 : vector<16xf32>
          %swap3A_434 = arith.constant 0 : i32
          %swap3A_435 = arith.constant 0 : i32
          %swap3A_436 = tpu.memref_slice %run_scoped3A_10[%rem3A_252, %swap3A_434, %swap3A_435] : memref<2x128x64xf32, #tpu.memory_space<vmem>> -> memref<1x128x64xf32, #tpu.memory_space<vmem>>
          %swap3A_437 = tpu.memref_squeeze %swap3A_436 : memref<1x128x64xf32, #tpu.memory_space<vmem>> -> memref<128x64xf32, #tpu.memory_space<vmem>>
          %swap3A_438 = arith.index_cast %add3A_356 : i32 to index
          %swap3A_439 = arith.constant 48 : index
          %swap3A_440 = tpu.vector_load %swap3A_437[%swap3A_438, %swap3A_439] {strides = array<i32>} : memref<128x64xf32, #tpu.memory_space<vmem>>, vector<1x16xf32>,
          %swap3A_441 = vector.shape_cast %swap3A_440 : vector<1x16xf32> to vector<16xf32>
          %swap3A_442 = vector.shape_cast %add3A_433 : vector<16xf32> to vector<1x16xf32>
          tpu.vector_store %swap3A_437[%swap3A_438, %swap3A_439], %swap3A_442 {strides = array<i32>} : memref<128x64xf32, #tpu.memory_space<vmem>>, vector<1x16xf32>,
        }
        %scan3A_259 = arith.constant 128 : i32
        "tpu.trace_stop"() : () -> ()
        %ne3A_260 = arith.cmpi ne, %add3A_161, %add3A_179 : i32
        %or3A_261 = arith.constant false
        %or3A_262 = arith.ori %or3A_261, %ne3A_260 : i1
        %or3A_263 = arith.ori %or3A_262, %eq3A_160 : i1
        %convert_element_type3A_264 = arith.extui %or3A_263 : i1 to i32
        %cond3A_265 = arith.constant 0 : i32
        %cond3A_266 = arith.cmpi ne, %convert_element_type3A_264, %cond3A_265 : i32
        scf.if %cond3A_266 {
        } else {
        }
        %and3A_267 = arith.constant false
        %and3A_268 = arith.andi %or3A_263, %and3A_267 : i1
        %ne3A_269 = arith.cmpi ne, %add3A_161, %add3A_179 : i32
        %or3A_270 = arith.constant false
        %or3A_271 = arith.ori %or3A_270, %ne3A_269 : i1
        %or3A_272 = arith.ori %or3A_271, %eq3A_160 : i1
        %convert_element_type3A_273 = arith.extui %or3A_272 : i1 to i32
        %cond3A_274 = arith.constant 0 : i32
        %cond3A_275 = arith.cmpi ne, %convert_element_type3A_273, %cond3A_274 : i32
        scf.if %cond3A_275 {
        } else {
        }
        %and3A_276 = arith.constant false
        %and3A_277 = arith.andi %or3A_272, %and3A_276 : i1
        %ne3A_278 = arith.cmpi ne, %add3A_161, %add3A_179 : i32
        %or3A_279 = arith.constant false
        %or3A_280 = arith.ori %or3A_279, %ne3A_278 : i1
        %or3A_281 = arith.constant false
        %or3A_282 = arith.ori %or3A_280, %or3A_281 : i1
        %or3A_283 = arith.ori %or3A_282, %eq3A_160 : i1
        %convert_element_type3A_284 = arith.extui %or3A_283 : i1 to i32
        %cond3A_285 = arith.constant 0 : i32
        %cond3A_286 = arith.cmpi ne, %convert_element_type3A_284, %cond3A_285 : i32
        scf.if %cond3A_286 {
          "tpu.trace_start"() <{level = 10 : i32, message = "ep_copy_out"}> : () -> ()
          %rem3A_352 = arith.constant 2 : i32
          %rem3A_353 = arith.remui %scan3A_154, %rem3A_352 : i32
          %mul3A_354 = arith.constant 128 : i32
          %mul3A_355 = arith.muli %mul3A_354, %add3A_161 : i32
          %dma_start3A_356 = arith.constant 0 : i32
          %dma_start3A_357 = arith.constant 0 : i32
          %dma_start3A_358 = tpu.memref_slice %run_scoped3A_10[%rem3A_353, %dma_start3A_356, %dma_start3A_357] : memref<2x128x64xf32, #tpu.memory_space<vmem>> -> memref<1x128x64xf32, #tpu.memory_space<vmem>>
          %dma_start3A_359 = tpu.memref_squeeze %dma_start3A_358 : memref<1x128x64xf32, #tpu.memory_space<vmem>> -> memref<128x64xf32, #tpu.memory_space<vmem>>
          %dma_start3A_360 = arith.constant 0 : i32
          %dma_start3A_361 = tpu.memref_slice %arg6[%mul3A_355, %dma_start3A_360] : memref<819200x64xf32, #tpu.memory_space<hbm>> -> memref<128x64xf32, #tpu.memory_space<hbm>>
          %dma_start3A_362 = tpu.memref_slice %run_scoped3A_11[%rem3A_353] : memref<2x!tpu.dma_semaphore, #tpu.memory_space<semaphore_mem>> -> memref<1x!tpu.dma_semaphore, #tpu.memory_space<semaphore_mem>>
          %dma_start3A_363 = tpu.memref_squeeze %dma_start3A_362 : memref<1x!tpu.dma_semaphore, #tpu.memory_space<semaphore_mem>> -> memref<!tpu.dma_semaphore, #tpu.memory_space<semaphore_mem>>
          %dma_start3A_364 = arith.constant 0 : i32
          %dma_start3A_365 = tpu.memref_slice %arg6[%mul3A_355, %dma_start3A_364] : memref<819200x64xf32, #tpu.memory_space<hbm>> -> memref<128x64xf32, #tpu.memory_space<hbm>>
          %dma_start3A_366 = arith.constant 0 : i32
          %dma_start3A_367 = arith.constant 0 : i32
          %dma_start3A_368 = tpu.memref_slice %run_scoped3A_10[%rem3A_353, %dma_start3A_366, %dma_start3A_367] : memref<2x128x64xf32, #tpu.memory_space<vmem>> -> memref<1x128x64xf32, #tpu.memory_space<vmem>>
          %dma_start3A_369 = tpu.memref_squeeze %dma_start3A_368 : memref<1x128x64xf32, #tpu.memory_space<vmem>> -> memref<128x64xf32, #tpu.memory_space<vmem>>
          tpu.enqueue_dma source(%dma_start3A_369 : memref<128x64xf32, #tpu.memory_space<vmem>>) target(%dma_start3A_365 : memref<128x64xf32, #tpu.memory_space<hbm>>) target_semaphore(%dma_start3A_363 : memref<!tpu.dma_semaphore, #tpu.memory_space<semaphore_mem>>)
          "tpu.trace_stop"() : () -> ()
        } else {
        }
        %and3A_287 = arith.constant true
        %and3A_288 = arith.andi %or3A_283, %and3A_287 : i1
        %add3A_289 = arith.constant 1 : i32
        %add3A_290 = arith.addi %scan3A_154, %add3A_289 : i32
        %select_n3A_291 = arith.select %and3A_288, %add3A_290, %scan3A_154 : i32
        %ne3A_292 = arith.cmpi ne, %add3A_161, %add3A_170 : i32
        %or3A_293 = arith.constant false
        %or3A_294 = arith.ori %or3A_293, %ne3A_292 : i1
        %not3A_295 = arith.constant true
        %not3A_296 = arith.xori %eq3A_158, %not3A_295 : i1
        %and3A_297 = arith.andi %or3A_294, %not3A_296 : i1
        %convert_element_type3A_298 = arith.extui %and3A_297 : i1 to i32
        %cond3A_299 = arith.constant 0 : i32
        %cond3A_300 = arith.cmpi ne, %convert_element_type3A_298, %cond3A_299 : i32
        scf.if %cond3A_300 {
        } else {
        }
        %and3A_301 = arith.constant false
        %and3A_302 = arith.andi %and3A_297, %and3A_301 : i1
        %ne3A_303 = arith.cmpi ne, %add3A_161, %add3A_170 : i32
        %or3A_304 = arith.constant false
        %or3A_305 = arith.ori %or3A_304, %ne3A_303 : i1
        %not3A_306 = arith.constant true
        %not3A_307 = arith.xori %eq3A_158, %not3A_306 : i1
        %and3A_308 = arith.andi %or3A_305, %not3A_307 : i1
        %convert_element_type3A_309 = arith.extui %and3A_308 : i1 to i32
        %cond3A_310 = arith.constant 0 : i32
        %cond3A_311 = arith.cmpi ne, %convert_element_type3A_309, %cond3A_310 : i32
        scf.if %cond3A_311 {
        } else {
        }
        %and3A_312 = arith.constant false
        %and3A_313 = arith.andi %and3A_308, %and3A_312 : i1
        %ne3A_314 = arith.cmpi ne, %add3A_161, %add3A_170 : i32
        %or3A_315 = arith.constant false
        %or3A_316 = arith.ori %or3A_315, %ne3A_314 : i1
        %or3A_317 = arith.constant false
        %or3A_318 = arith.ori %or3A_316, %or3A_317 : i1
        %not3A_319 = arith.constant true
        %not3A_320 = arith.xori %eq3A_158, %not3A_319 : i1
        %and3A_321 = arith.andi %or3A_318, %not3A_320 : i1
        %convert_element_type3A_322 = arith.extui %and3A_321 : i1 to i32
        %cond3A_323 = arith.constant 0 : i32
        %cond3A_324 = arith.cmpi ne, %convert_element_type3A_322, %cond3A_323 : i32
        scf.if %cond3A_324 {
          "tpu.trace_start"() <{level = 10 : i32, message = "ep_wait_out"}> : () -> ()
          %rem3A_352 = arith.constant 2 : i32
          %rem3A_353 = arith.remui %scan3A_155, %rem3A_352 : i32
          %mul3A_354 = arith.constant 128 : i32
          %mul3A_355 = arith.muli %mul3A_354, %add3A_170 : i32
          %dma_wait3A_356 = arith.constant 0 : i32
          %dma_wait3A_357 = arith.constant 0 : i32
          %dma_wait3A_358 = tpu.memref_slice %run_scoped3A_10[%rem3A_353, %dma_wait3A_356, %dma_wait3A_357] : memref<2x128x64xf32, #tpu.memory_space<vmem>> -> memref<1x128x64xf32, #tpu.memory_space<vmem>>
          %dma_wait3A_359 = tpu.memref_squeeze %dma_wait3A_358 : memref<1x128x64xf32, #tpu.memory_space<vmem>> -> memref<128x64xf32, #tpu.memory_space<vmem>>
          %dma_wait3A_360 = arith.constant 0 : i32
          %dma_wait3A_361 = tpu.memref_slice %arg6[%mul3A_355, %dma_wait3A_360] : memref<819200x64xf32, #tpu.memory_space<hbm>> -> memref<128x64xf32, #tpu.memory_space<hbm>>
          %dma_wait3A_362 = tpu.memref_slice %run_scoped3A_11[%rem3A_353] : memref<2x!tpu.dma_semaphore, #tpu.memory_space<semaphore_mem>> -> memref<1x!tpu.dma_semaphore, #tpu.memory_space<semaphore_mem>>
          %dma_wait3A_363 = tpu.memref_squeeze %dma_wait3A_362 : memref<1x!tpu.dma_semaphore, #tpu.memory_space<semaphore_mem>> -> memref<!tpu.dma_semaphore, #tpu.memory_space<semaphore_mem>>
          %dma_wait3A_364 = arith.constant 0 : i32
          %dma_wait3A_365 = tpu.memref_slice %arg6[%mul3A_355, %dma_wait3A_364] : memref<819200x64xf32, #tpu.memory_space<hbm>> -> memref<128x64xf32, #tpu.memory_space<hbm>>
          %dma_wait3A_366 = arith.constant 0 : i32
          %dma_wait3A_367 = arith.constant 0 : i32
          %dma_wait3A_368 = tpu.memref_slice %run_scoped3A_10[%rem3A_353, %dma_wait3A_366, %dma_wait3A_367] : memref<2x128x64xf32, #tpu.memory_space<vmem>> -> memref<1x128x64xf32, #tpu.memory_space<vmem>>
          %dma_wait3A_369 = tpu.memref_squeeze %dma_wait3A_368 : memref<1x128x64xf32, #tpu.memory_space<vmem>> -> memref<128x64xf32, #tpu.memory_space<vmem>>
          tpu.wait_dma2 semaphore(%dma_wait3A_363 : memref<!tpu.dma_semaphore, #tpu.memory_space<semaphore_mem>>) src(%dma_wait3A_369 : memref<128x64xf32, #tpu.memory_space<vmem>>) dst(%dma_wait3A_365 : memref<128x64xf32, #tpu.memory_space<hbm>>)
          "tpu.trace_stop"() : () -> ()
        } else {
        }
        %and3A_325 = arith.constant true
        %and3A_326 = arith.andi %and3A_321, %and3A_325 : i1
        %add3A_327 = arith.constant 1 : i32
        %add3A_328 = arith.addi %scan3A_155, %add3A_327 : i32
        %select_n3A_329 = arith.select %and3A_326, %add3A_328, %scan3A_155 : i32
        %ne3A_330 = arith.cmpi ne, %add3A_161, %add3A_179 : i32
        %or3A_331 = arith.constant false
        %or3A_332 = arith.ori %or3A_331, %ne3A_330 : i1
        %or3A_333 = arith.ori %or3A_332, %eq3A_160 : i1
        %add3A_334 = arith.constant 1 : i32
        %add3A_335 = arith.addi %scan3A_151, %add3A_334 : i32
        %select_n3A_336 = arith.select %or3A_333, %add3A_335, %scan3A_151 : i32
        %ne3A_337 = arith.cmpi ne, %add3A_161, %add3A_179 : i32
        %or3A_338 = arith.constant false
        %or3A_339 = arith.ori %or3A_338, %ne3A_337 : i1
        %or3A_340 = arith.ori %or3A_339, %eq3A_160 : i1
        %add3A_341 = arith.constant 1 : i32
        %add3A_342 = arith.addi %scan3A_153, %add3A_341 : i32
        %select_n3A_343 = arith.select %or3A_340, %add3A_342, %scan3A_153 : i32
        %add3A_344 = arith.constant 1 : i32
        %add3A_345 = arith.addi %scan3A_156, %add3A_344 : i32
        %select_n3A_346 = arith.constant true
        %select_n3A_347 = arith.select %select_n3A_346, %add3A_345, %scan3A_156 : i32
        %eq3A_348 = arith.constant 200 : i32
        %eq3A_349 = arith.cmpi eq, %select_n3A_347, %eq3A_348 : i32
        %select_n3A_350 = arith.constant 0 : i32
        %select_n3A_351 = arith.select %eq3A_349, %select_n3A_350, %select_n3A_347 : i32
        scf.yield %select_n3A_197, %select_n3A_336, %select_n3A_213, %select_n3A_343, %select_n3A_291, %select_n3A_329, %select_n3A_351 : i32, i32, i32, i32, i32, i32, i32
      }
      %scan3A_96 = arith.constant 200 : i32
      %sub3A = arith.constant 1 : i32
      %sub3A_97 = arith.subi %scan3A_95#6, %sub3A : i32
      %select_n3A_98 = arith.constant true
      %select_n3A_99 = arith.select %select_n3A_98, %sub3A_97, %scan3A_95#6 : i32
      %eq3A_100 = arith.constant -1 : i32
      %eq3A_101 = arith.cmpi eq, %select_n3A_99, %eq3A_100 : i32
      %select_n3A_102 = arith.constant 199 : i32
      %select_n3A_103 = arith.select %eq3A_101, %select_n3A_102, %select_n3A_99 : i32
      %add3A_104 = arith.addi %select_n3A_103, %mul3A_6 : i32
      %sub3A_105 = arith.constant 1 : i32
      %sub3A_106 = arith.subi %select_n3A_103, %sub3A_105 : i32
      %select_n3A_107 = arith.constant true
      %select_n3A_108 = arith.select %select_n3A_107, %sub3A_106, %select_n3A_103 : i32
      %eq3A_109 = arith.constant -1 : i32
      %eq3A_110 = arith.cmpi eq, %select_n3A_108, %eq3A_109 : i32
      %select_n3A_111 = arith.constant 199 : i32
      %select_n3A_112 = arith.select %eq3A_110, %select_n3A_111, %select_n3A_108 : i32
      %add3A_113 = arith.addi %select_n3A_112, %mul3A_6 : i32
      %add3A_114 = arith.constant 1 : i32
      %add3A_115 = arith.addi %select_n3A_103, %add3A_114 : i32
      %select_n3A_116 = arith.constant true
      %select_n3A_117 = arith.select %select_n3A_116, %add3A_115, %select_n3A_103 : i32
      %eq3A_118 = arith.constant 200 : i32
      %eq3A_119 = arith.cmpi eq, %select_n3A_117, %eq3A_118 : i32
      %select_n3A_120 = arith.constant 0 : i32
      %select_n3A_121 = arith.select %eq3A_119, %select_n3A_120, %select_n3A_117 : i32
      %add3A_122 = arith.addi %select_n3A_121, %mul3A_6 : i32
      %add3A_123 = arith.constant 1 : i32
      %add3A_124 = arith.addi %select_n3A_121, %add3A_123 : i32
      %select_n3A_125 = arith.constant true
      %select_n3A_126 = arith.select %select_n3A_125, %add3A_124, %select_n3A_121 : i32
      %eq3A_127 = arith.constant 200 : i32
      %eq3A_128 = arith.cmpi eq, %select_n3A_126, %eq3A_127 : i32
      %select_n3A_129 = arith.constant 0 : i32
      %select_n3A_130 = arith.select %eq3A_128, %select_n3A_129, %select_n3A_126 : i32
      %add3A_131 = arith.addi %select_n3A_130, %mul3A_6 : i32
      "tpu.trace_start"() <{level = 10 : i32, message = "ep_finalize"}> : () -> ()
      %rem3A_132 = arith.constant 2 : i32
      %rem3A_133 = arith.remui %scan3A_95#5, %rem3A_132 : i32
      %mul3A_134 = arith.constant 128 : i32
      %mul3A_135 = arith.muli %mul3A_134, %add3A_104 : i32
      %dma_wait3A = arith.constant 0 : i32
      %dma_wait3A_136 = arith.constant 0 : i32
      %dma_wait3A_137 = tpu.memref_slice %run_scoped3A_10[%rem3A_133, %dma_wait3A, %dma_wait3A_136] : memref<2x128x64xf32, #tpu.memory_space<vmem>> -> memref<1x128x64xf32, #tpu.memory_space<vmem>>
      %dma_wait3A_138 = tpu.memref_squeeze %dma_wait3A_137 : memref<1x128x64xf32, #tpu.memory_space<vmem>> -> memref<128x64xf32, #tpu.memory_space<vmem>>
      %dma_wait3A_139 = arith.constant 0 : i32
      %dma_wait3A_140 = tpu.memref_slice %arg6[%mul3A_135, %dma_wait3A_139] : memref<819200x64xf32, #tpu.memory_space<hbm>> -> memref<128x64xf32, #tpu.memory_space<hbm>>
      %dma_wait3A_141 = tpu.memref_slice %run_scoped3A_11[%rem3A_133] : memref<2x!tpu.dma_semaphore, #tpu.memory_space<semaphore_mem>> -> memref<1x!tpu.dma_semaphore, #tpu.memory_space<semaphore_mem>>
      %dma_wait3A_142 = tpu.memref_squeeze %dma_wait3A_141 : memref<1x!tpu.dma_semaphore, #tpu.memory_space<semaphore_mem>> -> memref<!tpu.dma_semaphore, #tpu.memory_space<semaphore_mem>>
      %dma_wait3A_143 = arith.constant 0 : i32
      %dma_wait3A_144 = tpu.memref_slice %arg6[%mul3A_135, %dma_wait3A_143] : memref<819200x64xf32, #tpu.memory_space<hbm>> -> memref<128x64xf32, #tpu.memory_space<hbm>>
      %dma_wait3A_145 = arith.constant 0 : i32
      %dma_wait3A_146 = arith.constant 0 : i32
      %dma_wait3A_147 = tpu.memref_slice %run_scoped3A_10[%rem3A_133, %dma_wait3A_145, %dma_wait3A_146] : memref<2x128x64xf32, #tpu.memory_space<vmem>> -> memref<1x128x64xf32, #tpu.memory_space<vmem>>
      %dma_wait3A_148 = tpu.memref_squeeze %dma_wait3A_147 : memref<1x128x64xf32, #tpu.memory_space<vmem>> -> memref<128x64xf32, #tpu.memory_space<vmem>>
      tpu.wait_dma2 semaphore(%dma_wait3A_142 : memref<!tpu.dma_semaphore, #tpu.memory_space<semaphore_mem>>) src(%dma_wait3A_148 : memref<128x64xf32, #tpu.memory_space<vmem>>) dst(%dma_wait3A_144 : memref<128x64xf32, #tpu.memory_space<hbm>>)
      "tpu.trace_stop"() : () -> ()
      tpu.yield
    }) : () -> ()
    return
  }
}

</mosaic_0001>

<sc_bundles>
// kernel: kernel.3.cloned.1.call-start
scs
__scs_entry_jumppad:
0x0: {  	(pc) =	sbr.rel $0x88, $3  }
0x1: {  	(tag) =	ssettag $0x0;
	lr =	simm.s32 $0x1  }
0x2: {  	[smem:$0x3F9E] =	sst lr;
	_ =	strace $0xD0000000  }
0x3: {  	_ = 	snop  }
0x4: {  	_ = 	snop  }
0x5: {  	_ = 	snop  }
0x6: {  	_ = 	snop  }
0x7: {  	_ = 	snop  }
__scs_overlays_trampoline_lowered:
0x8: {  	[smem:$0x3FAD] =	sst s0  }
0x9: {  	[smem:$0x3FAE] =	sst s1  }
0xa: {  	[smem:$0x3FAF] =	sst s2  }
0xb: {  	[smem:$0x3FB0] =	sst s3  }
0xc: {  	[smem:$0x3FB1] =	sst s4  }
0xd: {  	[smem:$0x3FB2] =	sst s5  }
0xe: {  	[smem:$0x3FB3] =	sst s6  }
0xf: {  	[smem:$0x3FB4] =	sst s7  }
0x10: {  	[smem:$0x3FB5] =	sst s8  }
0x11: {  	[smem:$0x3FB6] =	sst s9;
	s0 =	simm.s32 @!p0 $0x0  }
0x12: {  	s1 =	sld [smem:$0x3F9C];
	s0 =	simm.s32 @p0 $0x1  }
0x13: {  	[smem:$0x3FB7] =	sst s0;
	s0 =	simm.s32 @!p1 $0x0  }
0x14: {  	s2 =	sld [smem:$0x3F9B];
	s0 =	simm.s32 @p1 $0x1  }
0x15: {  	[smem:$0x3FB8] =	sst s0;
	s0 =	simm.s32 @!p2 $0x0  }
0x16: {  	s3 =	sld [smem:$0x3FDB];
	s0 =	simm.s32 @p2 $0x1  }
0x17: {  	s4 =	simm.s32 $0x1BF5;
	[smem:$0x3FBA] =	sst s0  }
0x18: {  	s0 =	sld [smem:$0x3F9D];
	_ =	swait.ge [sflag:s4], $0x0  }
0x19: {  	s7 =	sld [smem:$0x3F9E]  }
0x1a: {  	s8 =	sadd.s32 $0xFFFFE003, lr  }
0x1b: {  	s9 =	sadd.s32 $0xFFFFFEF7, lr;
	s5 =	simm.s32 $0xFFFFFFFF;
	p2 =	slt.u32 s8, $0xFFFFF086  }
0x1c: {  	p1 =	slt.u32 s9, $0xF7A;
	s5 =	simm.s32 @!p2 $0x0  }
0x1d: {  	s5 =	simm.s32 @p1 $0x1;
	p0 =	seq.s32 s7, s2  }
0x1e: {  	s7 =	smul.u32 @!p0 $0xF7A, s2;
	p2 =	seq.s32 @!p0 s5, $0x0  }
0x1f: {  	s9 =	smul.u32 $0xF7A, s1;
	s8 =	simm.s32 @!p0 $0x1BF5;
	p2 =	por !p2, p0  }
0x20: {  	[sflag:s8] =	ssyncset.s32 @!p0 $0xFFFFF086;
	s6 =	sadd.s32 @!p0 s3, s7;
	s7 =	simm.s32 @!p0 $0x108  }
0x21: {  	s3 =	sadd.s32 s3, s9;
	s6 =	sadd.s32 @!p0 $0x88, s6;
	s7 =	simm.s32 @p2 $0x1082  }
0x22: {  	[simem:s7], [sflag:s8] =	dma.local @!p0 [hbm:s6], $0xF7A  }
0x23: {  	s9 =	sor.u32 $0xD0000000, s2;
	s6 =	simm.s32 $0x108;
	_ =	swait.ge @!p0 [sflag:s8], $0x0  }
0x24: {  	s3 =	sadd.s32 $0x88, s3;
	s6 =	simm.s32 @!p1 $0x1082;
	[sflag:s4] =	ssyncset.s32 $0xFFFFF086  }
0x25: {  	[simem:s6], [sflag:s4] =	dma.local [hbm:s3], $0xF7A  }
0x26: {  	[smem:$0x3F9E] =	sst s1;
	(tag) =	ssettag s2;
	_ =	strace s9  }
0x27: {  	s1 =	sld [smem:$0x3FAE]  }
0x28: {  	s2 =	sld [smem:$0x3FAF]  }
0x29: {  	s4 =	sld [smem:$0x3FB1]  }
0x2a: {  	p0 =	seq.s32 s5, $0x0;
	s5 =	sld [smem:$0x3FB2]  }
0x2b: {  	s6 =	sld [smem:$0x3FB3]  }
0x2c: {  	s7 =	sld [smem:$0x3FB4]  }
0x2d: {  	s3 =	simm.s32 $0x108;
	s8 =	sld [smem:$0x3FB5]  }
0x2e: {  	s3 =	simm.s32 @!p0 $0x1082;
	s9 =	sld [smem:$0x3FB6]  }
0x2f: {  	lr =	sadd.s32 s0, s3;
	s0 =	sld [smem:$0x3FAD]  }
0x30: {  	s3 =	sld [smem:$0x3FB0]  }
0x31: {  	[smem:$0x3FB9] =	sst s10  }
0x32: {  	s10 =	sld [smem:$0x3FB7];
	_ =	sdelay $0x3  }
0x33: {  	p0 =	seq.s32 s10, $0x1;
	s10 =	sld [smem:$0x3FB9];
	_ =	sdelay $0x3  }
0x34: {  	[smem:$0x3FB9] =	sst s10  }
0x35: {  	s10 =	sld [smem:$0x3FB8];
	_ =	sdelay $0x3  }
0x36: {  	p1 =	seq.s32 s10, $0x1;
	s10 =	sld [smem:$0x3FB9];
	_ =	sdelay $0x3  }
0x37: {  	[smem:$0x3FB9] =	sst s10  }
0x38: {  	s10 =	sld [smem:$0x3FBA]  }
0x39: {  	_ = 	snop;
	(pc) =	sbr.ind lr, $3  }
0x3a: {  	_ = 	snop  }
0x3b: {  	_ = 	snop  }
0x3c: {  	p2 =	seq.s32 s10, $0x1;
	s10 =	sld [smem:$0x3FB9]  }
0x3d: {  	_ =	shalt  }
0x3e: {  	_ =	shalt  }
0x3f: {  	_ =	shalt  }
0x40: {  	_ =	shalt  }
0x41: {  	_ =	shalt  }
0x42: {  	_ =	shalt  }
0x43: {  	_ =	shalt  }
0x44: {  	_ =	shalt  }
0x45: {  	_ =	shalt  }
0x46: {  	_ =	shalt  }
0x47: {  	_ =	shalt  }
0x48: {  	_ =	shalt  }
0x49: {  	_ =	shalt  }
0x4a: {  	_ =	shalt  }
0x4b: {  	_ =	shalt  }
0x4c: {  	_ =	shalt  }
0x4d: {  	_ =	shalt  }
0x4e: {  	_ =	shalt  }
0x4f: {  	_ =	shalt  }
0x50: {  	_ =	shalt  }
0x51: {  	_ =	shalt  }
0x52: {  	_ =	shalt  }
0x53: {  	_ =	shalt  }
0x54: {  	_ =	shalt  }
0x55: {  	_ =	shalt  }
0x56: {  	_ =	shalt  }
0x57: {  	_ =	shalt  }
0x58: {  	_ =	shalt  }
0x59: {  	_ =	shalt  }
0x5a: {  	_ =	shalt  }
0x5b: {  	_ =	shalt  }
0x5c: {  	_ =	shalt  }
0x5d: {  	_ =	shalt  }
0x5e: {  	_ =	shalt  }
0x5f: {  	_ =	shalt  }
0x60: {  	_ =	shalt  }
0x61: {  	_ =	shalt  }
0x62: {  	_ =	shalt  }
0x63: {  	_ =	shalt  }
0x64: {  	_ =	shalt  }
0x65: {  	_ =	shalt  }
0x66: {  	_ =	shalt  }
0x67: {  	_ =	shalt  }
0x68: {  	_ =	shalt  }
0x69: {  	_ =	shalt  }
0x6a: {  	_ =	shalt  }
0x6b: {  	_ =	shalt  }
0x6c: {  	_ =	shalt  }
0x6d: {  	_ =	shalt  }
0x6e: {  	_ =	shalt  }
0x6f: {  	_ =	shalt  }
0x70: {  	_ =	shalt  }
0x71: {  	_ =	shalt  }
0x72: {  	_ =	shalt  }
0x73: {  	_ =	shalt  }
0x74: {  	_ =	shalt  }
0x75: {  	_ =	shalt  }
0x76: {  	_ =	shalt  }
0x77: {  	_ =	shalt  }
0x78: {  	_ =	shalt  }
0x79: {  	_ =	shalt  }
0x7a: {  	_ =	shalt  }
0x7b: {  	_ =	shalt  }
0x7c: {  	_ =	shalt  }
0x7d: {  	_ =	shalt  }
0x7e: {  	_ =	shalt  }
0x7f: {  	_ =	shalt  }
0x80: {  	_ =	shalt  }
0x81: {  	_ =	shalt  }
0x82: {  	_ =	shalt  }
0x83: {  	_ =	shalt  }
0x84: {  	_ =	shalt  }
0x85: {  	_ =	shalt  }
0x86: {  	_ =	shalt  }
0x87: {  	_ =	shalt  }
.Lfunc_end0:
.L_simem_size_0:
called_computation.1_lowered:
.L_overlay_start_0:
0x88: {  	s2 =	sld [smem:$0x3FD9]  }
0x89: {  	s3 =	sld [smem:$0x3FFE];
	_ =	sdelay $0x1  }
0x8a: {  	s1 =	srdreg.scid  }
0x8b: {  	s0 =	sand.u32 $0x1, s1  }
0x8c: {  	s17 =	sshll.u32 s0, $0xA;
	s2 =	sadd.s32 s3, s2  }
0x8d: {  	s2 =	sadd.s32 s2, s17  }
0x8e: {  	[smem:$0x3FC5] =	sst s2  }
0x8f: {  	_ = 	snop  }
0x90: {  	s2 =	sld [smem:$0x3FD0];
	(tm) =	ssettm $0x1  }
0x91: {  	s18 =	sld [smem:$0x3FFB];
	_ =	sdelay $0x3  }
0x92: {  	_ =	strace s18  }
0x93: {  	s3 =	sld [smem:$0x3FFC];
	_ =	sdelay $0x3  }
0x94: {  	_ =	strace s3  }
0x95: {  	s3 =	sld [smem:$0x3FFD];
	_ =	sdelay $0x3  }
0x96: {  	_ =	strace s3  }
0x97: {  	_ =	strace $0x8FFFFFFF  }
0x98: {  	s19 =	sld [smem:$0x3FDB];
	_ =	sdelay $0x1  }
0x99: {  	s4 =	simm.s32 $_scs_section_size  }
0x9a: {  	s5 =	simm.s32 $_size__tile_overlayer_lowered;
	s6 =	simm.s32 $_tile_overlayer_lowered  }
0x9b: {  	s22 =	simm.s32 $0x1BFF;
	s21 =	sshll.u32 s6, $0x1;
	s3 =	sadd.s32 s4, s19  }
0x9c: {  	s7 =	simm.s32 $0x0;
	s20 =	sshll.u32 s5, $0x1;
	s5 =	sadd.s32 s21, s3  }
0x9d: {  	[timem:s7], [sflag:s22] =	dma.local [hbm:s5], s20  }
0x9e: {  	_ =	swait.ge [sflag:s22], s20  }
0x9f: {  	s4 =	ssub.s32 $0x0, s20;
	[sflag:s22] =	ssyncset.done $0x0  }
0xa0: {  	[sflag:s22] =	ssyncadd.s32 s4;
	_ =	sdelay $0x1  }
0xa1: {  	s23 =	simm.s32 $0x1B8B  }
0xa2: {  	_ =	swait.ge [sflag:s23], $0x1  }
0xa3: {  	[sflag:s23] =	ssyncset.done $0x0  }
0xa4: {  	s25 =	simm.s32 $0x1B8E;
	s24 =	sld [smem:$0x3FFE];
	[sflag:s23] =	ssyncadd.s32 $0xFFFFFFFF  }
0xa5: {  	s26 =	simm.s32 $execute0_lowered;
	[smem:$0x3FD2] =	sst s25  }
0xa6: {  	s5 =	sshll.u32 s26, $0x1;
	_ =	strace $0x80000046;
	[dreg:$0x1] =	wrdreg $0xFFFFFFFF  }
0xa7: {  	s28 =	simm.s32 $_size_execute0_lowered;
	s3 =	sadd.s32 s3, s5;
	[dreg:$0x0] =	wrdreg $0x0  }
0xa8: {  	s5 =	sshll.u32 s28, $0x1;
	[dreg:$0x2] =	wrdreg s3  }
0xa9: {  	[dreg:$0x3] =	wrdreg s5  }
0xaa: {  	[dreg:$0x4] =	wrdreg $0xC0  }
0xab: {  	_ =	task [dreg:s7], $0x5FFFF  }
0xac: {  	[dreg:$0x1] =	wrdreg $0xFFFFFFFF  }
0xad: {  	[dreg:$0x0] =	wrdreg $0x60  }
0xae: {  	[dreg:$0x2] =	wrdreg s24  }
0xaf: {  	[dreg:$0x3] =	wrdreg s2  }
0xb0: {  	[dreg:$0x4] =	wrdreg $0x9  }
0xb1: {  	_ =	task.clear_ibuf [dreg:s7], $0x5FFFF;
	_ =	strace $0x90000046  }
0xb2: {  	s29 =	simm.s32 $0x9;
	_ =	strace $0x80000051  }
0xb3: {  	_ =	swait.ge [sflag:s29], $0x1  }
0xb4: {  	[sflag:s29] =	ssyncadd.s32 $0xFFFFFFFF  }
0xb5: {  	_ =	strace $0x90000051  }
0xb6: {  	_ =	sfence  }
0xb7: {  	s30 =	sld [smem:$0x0];
	_ =	sdelay $0x2  }
0xb8: {  	s31 =	sshll.u32 s1, $0xD;
	s1 =	sshrl.u32 s1, $0x2  }
0xb9: {  	s3 =	sand.u32 $0x4000, s31;
	s1 =	sadd.s32 s1, s30  }
0xba: {  	s0 =	sor.u32 s3, s0;
	s1 =	sshll.u32 s1, $0x11  }
0xbb: {  	s0 =	sor.u32 s1, s0  }
0xbc: {  	s0 =	sadd.s32 $0x8F2B, s0  }
0xbd: {  	[sflag:s0] =	ssyncadd.remote.s32 $0x1  }
0xbe: {  	_ =	sfence.sel $0xFFFF  }
0xbf: {  	[dreg:$0x0] =	wrdreg $0xFFFFFFFF;
	(pc) =	sbr.abs _section_cstart, $3  }
0xc0: {  	[dreg:$0x1] =	wrdreg $0xFFFFFFFF  }
0xc1: {  	_ =	task.clear_ibuf [dreg:s7], $0x2FFFF;
	_ =	strace $0x9FFFFFFF  }
0xc2: {  	(tm) =	ssettm $0x7FFFFFFF  }
0xc3: {  	_ =	shalt  }
tec
execute0_lowered:
.L_overlay_start_1:
0x0: {  	(tag) =	ssettag $0x1  }
0x1: {  	s0 =	rddreg [dreg:$0x0]  }
0x2: {  	s1 =	rddreg [dreg:$0x1];
	s2 =	simm.s32 $0x0  }
0x3: {  	s3 =	srdreg.scid;
	s6 =	stileid.u32;
	s12 =	simm.s32 $0x2000  }
0x4: {  	s13 =	simm.s32 $0x2100;
	s14 =	simm.s32 $0x80;
	s15 =	simm.s32 $0x7  }
0x5: {  	s16 =	simm.s32 $0x0;
	[smem:$0x7FF] =	sst s2;
	s3 =	sand.u32 $0x1, s3  }
0x6: {  	s4 =	sadd.s32 $0xF43000, s0;
	s7 =	sadd.s32 $0x1A000, s0;
	s5 =	sshll.u32 s3, $0x4  }
0x7: {  	_ =	strace $0x80000047;
	s3 =	ssub.s32 $0x2, s3;
	s8 =	sor.u32 s6, s5  }
0x8: {  	s5 =	sadd.s32 $0x800, s0;
	s9 =	sshrl.u32 s3, $0x1;
	s10 =	smul.u32 $0xC80, s8  }
0x9: {  	s6 =	sadd.s32 $0x1000, s0;
	s31 =	ssub.s32 s3, s9;
	s8 =	smul.u32 $0xC8, s8  }
0xa: {  	s11 =	smax.u32 s31, $0x1;
	s9 =	sadd.s32 s6, s10;
	s10 =	sadd.s32 s7, s10  }
.LBB2_1:
0xb: {  	_ =	strace $0x80000048  }
0xc: {  	s25 =	simm.s32 $0x0;
	s17 =	simm.s32 $0x0;
	s18 =	simm.s32 $0x0  }
0xd: {  	[tilespmem:s12], [sflag:$0x1] =	stream.linear.gather [hbm4b:s9+s2], $0x80, $0x200038;
	[tilespmem:$0x6200] =	vst v63  }
0xe: {  	s19 =	simm.s32 $0x0;
	s20 =	simm.s32 $0x1;
	s21 =	simm.s32 $0x0  }
0xf: {  	[tilespmem:s13], [sflag:$0x3] =	stream.linear.gather [hbm4b:s10+s2], $0x80, $0x200038;
	[tilespmem:$0x6200] =	vst v63  }
0x10: {  	s0 =	simm.s32 $0x1;
	s23 =	simm.s32 $0x0;
	_ =	strace $0x90000048  }
.LBB2_2:
0x11: {  	s24 =	sadd.s32 $0x1, s25  }
0x12: {  	p0 =	seq.s32 s24, $0xC8  }
0x13: {  	s24 =	simm.s32 @p0 $0x0;
	p0 =	seq.s32 s23, $0xC7  }
0x14: {  	p1 =	seq.s32 @!p0 s25, s24  }
0x15: {  	p2 =	por p1, p0  }
0x16: {  	s3 =	sadd.s32 @!p2 s8, s24  }
0x17: {  	s26 =	sand.u32 @!p2 $0x1, s0;
	_ =	strace @!p2 $0x80000049;
	s3 =	sshll.u32 @!p2 s3, $0x4  }
0x18: {  	s30 =	simm.s32 @!p2 $0x0;
	s28 =	sshll.u32 @!p2 s26, $0x7;
	s3 =	sand.u32 @!p2 $0x1FFFFFF0, s3  }
0x19: {  	s26 =	sadd.s32 @!p2 $0x1, s26;
	s28 =	sor.u32 @!p2 $0x2000, s28;
	s29 =	sadd.s32 @!p2 s6, s3  }
0x1a: {  	[tilespmem:s28], [sflag:s26] =	stream.linear.gather @!p2 [hbm4b:s29+s30], $0x80, $0x200038;
	[tilespmem:$0x6200] =	vst v63  }
0x1b: {  	s26 =	sand.u32 @!p2 $0x1, s20  }
0x1c: {  	s3 =	sadd.s32 @!p2 s7, s3;
	_ =	strace @!p2 $0x90000049;
	s28 =	sshll.u32 @!p2 s26, $0x7  }
0x1d: {  	s26 =	sadd.s32 @!p2 $0x3, s26;
	_ =	strace @!p2 $0x8000004A;
	s28 =	sor.u32 @!p2 $0x2100, s28  }
0x1e: {  	[tilespmem:s28], [sflag:s26] =	stream.linear.gather @!p2 [hbm4b:s3+s30], $0x80, $0x200038;
	[tilespmem:$0x6200] =	vst v63  }
0x1f: {  	s26 =	sand.u32 $0x1, s21;
	_ =	strace @!p2 $0x9000004A  }
0x20: {  	s3 =	sadd.s32 $0x1, s26;
	_ =	strace $0x8000004B  }
0x21: {  	_ =	swait.ge [sflag:s3], $0x80  }
0x22: {  	[sflag:s3] =	ssyncset.done $0x0  }
0x23: {  	[sflag:s3] =	ssyncadd.s32 $0xFFFFFF80  }
0x24: {  	s26 =	sand.u32 $0x1, s19;
	_ =	strace $0x9000004B  }
0x25: {  	s3 =	sadd.s32 $0x3, s26;
	_ =	strace $0x8000004C  }
0x26: {  	_ =	swait.ge [sflag:s3], $0x80  }
0x27: {  	[sflag:s3] =	ssyncset.done $0x0  }
0x28: {  	s26 =	sand.u32 $0x1, s18;
	[sflag:s3] =	ssyncadd.s32 $0xFFFFFF80;
	s3 =	sshll.u32 s21, $0x7  }
0x29: {  	s29 =	sshll.u32 s26, $0xD;
	_ =	strace $0x9000004C;
	s3 =	sand.u32 $0x80, s3  }
0x2a: {  	s28 =	sadd.s32 $0x2200, s29;
	_ =	strace $0x8000004D;
	s3 =	sor.u32 $0x2000, s3  }
0x2b: {  	[tilespmem:s28], [sflag:$0x7] =	stream.indirect.gather [hbm4b:s4+s14], $0x40, s3, s14, $0x2000b8;
	[tilespmem:$0x6200] =	vst v63  }
0x2c: {  	s3 =	sshll.u32 s19, $0x7;
	_ =	swait.ge [sflag:s15], $0x2000  }
0x2d: {  	s29 =	sadd.s32 $0x2220, s29;
	s3 =	sand.u32 $0x80, s3;
	[sflag:s15] =	ssyncset.done $0x0  }
0x2e: {  	s30 =	simm.s32 $0x0;
	v0 =	vmov s29;
	s3 =	sor.u32 $0x2100, s3;
	[sflag:s15] =	ssyncadd.s32 $0xFFFFE000  }
0x2f: {  	[tilespmem:s30], [sflag:$0x7] =	stream.indirect.gather [hbm4b:s5+s14], $0x40, s3, s14, $0x2000b8;
	[tilespmem:$0x6200] =	vst v63  }
0x30: {  	_ =	swait.ge [sflag:s15], $0x2000  }
0x31: {  	[sflag:s15] =	ssyncset.done $0x0  }
0x32: {  	s31 =	simm.s32 $0x0;
	[sflag:s15] =	ssyncadd.s32 $0xFFFFE000  }
0x33: {  	v1 =	vld.idx.msk [tilespmem:v0+s31+$0xFFFFFFE0 ss:$0x1], $0xffff  }
0x34: {  	v2 =	vld [tilespmem:s31+$0x0];
	_ =	sdelay $0x4  }
0x35: {  	v1 =	vadd.f32 v2, v1;
	_ =	sdelay $0x1  }
0x36: {  	[tilespmem:v0+s31+$0xFFFFFFE0 ss:$0x1] =	vst.idx.msk $0xffff, v1  }
0x37: {  	v1 =	vld.idx.msk [tilespmem:v0+s31+$0xFFFFFFF0 ss:$0x1], $0xffff  }
0x38: {  	v2 =	vld [tilespmem:s31+$0x10];
	_ =	sdelay $0x4  }
0x39: {  	v1 =	vadd.f32 v2, v1;
	_ =	sdelay $0x1  }
0x3a: {  	[tilespmem:v0+s31+$0xFFFFFFF0 ss:$0x1] =	vst.idx.msk $0xffff, v1  }
0x3b: {  	v1 =	vld.idx.msk [tilespmem:v0+s31+$0x0 ss:$0x1], $0xffff  }
0x3c: {  	v2 =	vld [tilespmem:s31+$0x20];
	_ =	sdelay $0x4  }
0x3d: {  	v1 =	vadd.f32 v2, v1;
	_ =	sdelay $0x1  }
0x3e: {  	[tilespmem:v0+s31+$0x0 ss:$0x1] =	vst.idx.msk $0xffff, v1  }
0x3f: {  	v1 =	vld.idx.msk [tilespmem:v0+s31+$0x10 ss:$0x1], $0xffff  }
0x40: {  	v2 =	vld [tilespmem:s31+$0x30];
	_ =	sdelay $0x1  }
0x41: {  	p1 =	por !p1, p0;
	s29 =	simm.s32 $0x0  }
0x42: {  	s22 =	smov.u32 s0;
	s29 =	simm.s32 @p1 $0x1;
	s3 =	sadd.s32 @!p2 $0x1, s0  }
0x43: {  	s29 =	simm.s32 @p0 $0x0;
	s30 =	sadd.s32 s8, s25;
	s0 =	smov.u32 @p1 s3  }
0x44: {  	s3 =	simm.s32 $0x200;
	s0 =	smov.u32 @p0 s22;
	s22 =	simm.s32 $0x100;
	v1 =	vadd.f32 v2, v1  }
.LBB2_3:
0x45: {  	p1 =	sne.s32 s3, $0x7F00  }
0x46: {  	[tilespmem:v0+s31+$0x10 ss:$0x1] =	vst.idx.msk $0xffff, v1;
	s31 =	sshra.s32 s22, $0x2;
	s22 =	smov.u32 s3;
	s3 =	sadd.s32 $0x100, s3  }
0x47: {  	v1 =	vld.idx.msk [tilespmem:v0+s31+$0xFFFFFFE0 ss:$0x1], $0xffff  }
0x48: {  	v2 =	vld [tilespmem:s31+$0x0];
	_ =	sdelay $0x4  }
0x49: {  	v1 =	vadd.f32 v2, v1;
	_ =	sdelay $0x1  }
0x4a: {  	[tilespmem:v0+s31+$0xFFFFFFE0 ss:$0x1] =	vst.idx.msk $0xffff, v1  }
0x4b: {  	v1 =	vld.idx.msk [tilespmem:v0+s31+$0xFFFFFFF0 ss:$0x1], $0xffff  }
0x4c: {  	v2 =	vld [tilespmem:s31+$0x10];
	_ =	sdelay $0x4  }
0x4d: {  	v1 =	vadd.f32 v2, v1;
	_ =	sdelay $0x1  }
0x4e: {  	[tilespmem:v0+s31+$0xFFFFFFF0 ss:$0x1] =	vst.idx.msk $0xffff, v1  }
0x4f: {  	v1 =	vld.idx.msk [tilespmem:v0+s31+$0x0 ss:$0x1], $0xffff  }
0x50: {  	v2 =	vld [tilespmem:s31+$0x20];
	_ =	sdelay $0x4  }
0x51: {  	v1 =	vadd.f32 v2, v1;
	_ =	sdelay $0x1  }
0x52: {  	[tilespmem:v0+s31+$0x0 ss:$0x1] =	vst.idx.msk $0xffff, v1  }
0x53: {  	v1 =	vld.idx.msk [tilespmem:v0+s31+$0x10 ss:$0x1], $0xffff  }
0x54: {  	v2 =	vld [tilespmem:s31+$0x30]  }
.Ltmp0:
0x55: {  	(pc) =	sbr.rel @p1 .LBB2_3-.Ltmp0, $2  }
0x56: {  	_ =	sdelay $0x2  }
0x57: {  	v1 =	vadd.f32 v2, v1  }
0x58: {  	_ =	sdelay $0x3  }
0x59: {  	s3 =	sshra.s32 s22, $0x2;
	[tilespmem:v0+s31+$0x10 ss:$0x1] =	vst.idx.msk $0xffff, v1  }
0x5a: {  	v1 =	vld.idx.msk [tilespmem:v0+s3+$0xFFFFFFE0 ss:$0x1], $0xffff  }
0x5b: {  	v2 =	vld [tilespmem:s3+$0x0];
	_ =	sdelay $0x4  }
0x5c: {  	v1 =	vadd.f32 v2, v1;
	_ =	sdelay $0x1  }
0x5d: {  	[tilespmem:v0+s3+$0xFFFFFFE0 ss:$0x1] =	vst.idx.msk $0xffff, v1  }
0x5e: {  	v1 =	vld.idx.msk [tilespmem:v0+s3+$0xFFFFFFF0 ss:$0x1], $0xffff  }
0x5f: {  	v61 =	vld [tilespmem:s3+$0x10];
	_ =	sdelay $0x4  }
0x60: {  	v1 =	vadd.f32 v61, v1;
	_ =	sdelay $0x1  }
0x61: {  	[tilespmem:v0+s3+$0xFFFFFFF0 ss:$0x1] =	vst.idx.msk $0xffff, v1  }
0x62: {  	v1 =	vld.idx.msk [tilespmem:v0+s3+$0x0 ss:$0x1], $0xffff  }
0x63: {  	v62 =	vld [tilespmem:s3+$0x20];
	_ =	sdelay $0x4  }
0x64: {  	v1 =	vadd.f32 v62, v1;
	_ =	sdelay $0x1  }
0x65: {  	[tilespmem:v0+s3+$0x0 ss:$0x1] =	vst.idx.msk $0xffff, v1  }
0x66: {  	v1 =	vld.idx.msk [tilespmem:v0+s3+$0x10 ss:$0x1], $0xffff  }
0x67: {  	v63 =	vld [tilespmem:s3+$0x30];
	_ =	sdelay $0x4  }
0x68: {  	p1 =	sne.s32 s25, s24;
	v1 =	vadd.f32 v63, v1  }
0x69: {  	p0 =	por p0, p1  }
0x6a: {  	p1 =	seq.s32 s23, $0x0;
	[tilespmem:v0+s3+$0x10 ss:$0x1] =	vst.idx.msk $0xffff, v1;
	s3 =	sshll.u32 @p0 s30, $0xA  }
0x6b: {  	s22 =	sadd.s32 @p0 $0x5, s26;
	_ =	strace $0x9000004D;
	s3 =	sand.u32 @p0 $0x1FFFFC00, s3  }
0x6c: {  	s25 =	simm.s32 @p0 $0x0;
	_ =	strace @p0 $0x8000004E;
	s3 =	sadd.s32 @p0 s1, s3  }
0x6d: {  	[hbm4b:s3+s25] =	stream.linear.scatter @p0 [tilespmem:s28], [sflag:s22], $0x2000, $0x200038;
	[tilespmem:$0x6200] =	vst v63  }
0x6e: {  	s3 =	sand.u32 @!p1 $0x1, s17;
	_ =	strace @p0 $0x9000004E  }
0x6f: {  	s3 =	sadd.s32 @!p1 $0x5, s3;
	_ =	strace @!p1 $0x8000004F  }
0x70: {  	s22 =	simm.s32 $0x1;
	_ =	swait.ge @!p1 [sflag:s3], $0x2000  }
0x71: {  	s22 =	simm.s32 @!p0 $0x0;
	p0 =	sne.s32 s23, $0x0;
	[sflag:s3] =	ssyncset.done @!p1 $0x0  }
0x72: {  	s23 =	sadd.s32 $0x1, s23;
	[sflag:s3] =	ssyncadd.s32 @!p1 $0xFFFFE000;
	s3 =	simm.s32 $0x1  }
0x73: {  	s3 =	simm.s32 @!p0 $0x0;
	p0 =	sne.s32 s23, $0xC8  }
.Ltmp1:
0x74: {  	_ = 	snop;
	(pc) =	sbr.rel @p0 .LBB2_2-.Ltmp1, $4  }
0x75: {  	_ = 	snop  }
0x76: {  	s20 =	sadd.s32 s20, s29  }
0x77: {  	s25 =	smov.u32 s24;
	s18 =	sadd.s32 s22, s18;
	s21 =	sadd.s32 s22, s21  }
0x78: {  	s19 =	sadd.s32 s22, s19;
	_ =	strace @!p1 $0x9000004F;
	s17 =	sadd.s32 s3, s17  }
0x79: {  	s16 =	sadd.s32 $0x1, s16  }
0x7a: {  	s0 =	sand.u32 $0x1, s17;
	p0 =	sne.s32 s16, s11  }
.Ltmp2:
0x7b: {  	_ =	strace $0x80000050;
	s0 =	sadd.s32 $0x5, s0;
	(pc) =	sbr.rel @p0 .LBB2_1-.Ltmp2, $4  }
0x7c: {  	_ =	swait.ge [sflag:s0], $0x2000  }
0x7d: {  	[sflag:s0] =	ssyncset.done $0x0  }
0x7e: {  	[sflag:s0] =	ssyncadd.s32 $0xFFFFE000  }
0x7f: {  	_ =	strace $0x90000050  }
0x80: {  	_ =	sfence.sel $0x180000  }
0x81: {  	[bflag:$0x0] =	sbarrier.arrive $0xFFFF  }
0x82: {  	_ =	strace $0x90000047  }
0x83: {  	s0 =	stileid.u32;
	[bflag:$0x2] =	sbarrier.arrive $0xFFFF  }
0x84: {  	p0 =	sne.s32 s0, $0x0;
	s0 =	rddreg [dreg:$0x2]  }
0x85: {  	s0 =	sadd.s32 @!p0 $0x100000, s0  }
0x86: {  	[sflag:s0] =	ssyncadd.tile.s32 @!p0 $0x1;
	_ =	shalt  }
.Lfunc_end2:
_tile_overlayer_lowered:
.L_overlay_start_2:
0x87: {  	(tag) =	ssettag $0x2  }
0x88: {  	s0 =	rddreg [dreg:$0x0];
	s2 =	stileid.u32  }
0x89: {  	s1 =	rddreg [dreg:$0x1];
	p0 =	sne.s32 s2, $0x0  }
0x8a: {  	s3 =	rddreg [dreg:$0x2];
	[bflag:$0x3] =	sbarrier.arrive $0xFFFF;
	s2 =	simm.s32 @!p0 $0x1C01  }
0x8b: {  	[timem:s3], [sflag:s2] =	dma.local @!p0 [hbm:s0], s1  }
0x8c: {  	s0 =	simm.s32 @!p0 $0x1  }
0x8d: {  	_ =	swait.ge @!p0 [sflag:s0], s1  }
0x8e: {  	s1 =	ssub.s32 @!p0 $0x0, s1;
	[sflag:s0] =	ssyncset.done @!p0 $0x0  }
0x8f: {  	[sflag:s0] =	ssyncadd.s32 @!p0 s1  }
0x90: {  	[bflag:$0x3] =	sbarrier.arrive $0xFFFF  }
0x91: {  	_ =	shalt  }

// kernel: sparse-core-data-format-call.cloned.1.call-start
scs
called_computation_lowered:
.L_overlay_start_0:
0x0: {  	s2 =	sld [smem:$0x3FD9]  }
0x1: {  	s3 =	sld [smem:$0x3FFE];
	_ =	sdelay $0x1  }
0x2: {  	s1 =	srdreg.scid  }
0x3: {  	s0 =	sand.u32 $0x1, s1  }
0x4: {  	s18 =	sshll.u32 s0, $0xA;
	s2 =	sadd.s32 s3, s2  }
0x5: {  	s2 =	sadd.s32 s2, s18  }
0x6: {  	[smem:$0x3FC5] =	sst s2  }
0x7: {  	_ = 	snop  }
0x8: {  	s2 =	sld [smem:$0x3FD0];
	(tm) =	ssettm $0x1  }
0x9: {  	s19 =	sld [smem:$0x3FFB];
	_ =	sdelay $0x3  }
0xa: {  	_ =	strace s19  }
0xb: {  	s3 =	sld [smem:$0x3FFC];
	_ =	sdelay $0x3  }
0xc: {  	_ =	strace s3  }
0xd: {  	s3 =	sld [smem:$0x3FFD];
	_ =	sdelay $0x3  }
0xe: {  	_ =	strace s3  }
0xf: {  	_ =	strace $0x8FFFFFFF  }
0x10: {  	s20 =	sld [smem:$0x3FDB];
	_ =	sdelay $0x1  }
0x11: {  	s4 =	simm.s32 $_scs_section_size  }
0x12: {  	s5 =	simm.s32 $_size__tile_overlayer_lowered;
	s6 =	simm.s32 $_tile_overlayer_lowered  }
0x13: {  	s23 =	simm.s32 $0x1BFF;
	s22 =	sshll.u32 s6, $0x1;
	s3 =	sadd.s32 s4, s20  }
0x14: {  	s7 =	simm.s32 $0x0;
	s21 =	sshll.u32 s5, $0x1;
	s5 =	sadd.s32 s22, s3  }
0x15: {  	[timem:s7], [sflag:s23] =	dma.local [hbm:s5], s21  }
0x16: {  	_ =	swait.ge [sflag:s23], s21  }
0x17: {  	s4 =	ssub.s32 $0x0, s21;
	[sflag:s23] =	ssyncset.done $0x0  }
0x18: {  	[sflag:s23] =	ssyncadd.s32 s4;
	_ =	sdelay $0x1  }
0x19: {  	s24 =	simm.s32 $0x1B8B  }
0x1a: {  	_ =	swait.ge [sflag:s24], $0x1  }
0x1b: {  	[sflag:s24] =	ssyncset.done $0x0  }
0x1c: {  	s26 =	simm.s32 $0x1B8E;
	s25 =	sld [smem:$0x3FFE];
	[sflag:s24] =	ssyncadd.s32 $0xFFFFFFFF  }
0x1d: {  	s27 =	simm.s32 $execute0_lowered;
	[smem:$0x3FD2] =	sst s26  }
0x1e: {  	s5 =	sshll.u32 s27, $0x1;
	_ =	strace $0x80000052;
	[dreg:$0x1] =	wrdreg $0xFFFFFFFF  }
0x1f: {  	s28 =	simm.s32 $_size_execute0_lowered;
	s3 =	sadd.s32 s3, s5;
	[dreg:$0x0] =	wrdreg $0x0  }
0x20: {  	s5 =	sshll.u32 s28, $0x1;
	[dreg:$0x2] =	wrdreg s3  }
0x21: {  	[dreg:$0x3] =	wrdreg s5  }
0x22: {  	[dreg:$0x4] =	wrdreg $0xC0  }
0x23: {  	_ =	task [dreg:s7], $0x5FFFF  }
0x24: {  	[dreg:$0x1] =	wrdreg $0xFFFFFFFF  }
0x25: {  	[dreg:$0x0] =	wrdreg $0x60  }
0x26: {  	[dreg:$0x2] =	wrdreg s25  }
0x27: {  	[dreg:$0x3] =	wrdreg s2  }
0x28: {  	[dreg:$0x4] =	wrdreg $0x9  }
0x29: {  	_ =	task.clear_ibuf [dreg:s7], $0x5FFFF;
	_ =	strace $0x90000052  }
0x2a: {  	s29 =	simm.s32 $0x9;
	_ =	strace $0x80000054  }
0x2b: {  	_ =	swait.ge [sflag:s29], $0x1  }
0x2c: {  	[sflag:s29] =	ssyncadd.s32 $0xFFFFFFFF  }
0x2d: {  	_ =	strace $0x90000054  }
0x2e: {  	_ =	sfence  }
0x2f: {  	s30 =	sld [smem:$0x0];
	_ =	sdelay $0x2  }
0x30: {  	s31 =	sshll.u32 s1, $0xD;
	s1 =	sshrl.u32 s1, $0x2  }
0x31: {  	s3 =	sand.u32 $0x4000, s31;
	s1 =	sadd.s32 s1, s30  }
0x32: {  	s0 =	sor.u32 s3, s0;
	s1 =	sshll.u32 s1, $0x11  }
0x33: {  	s0 =	sor.u32 s1, s0  }
0x34: {  	s0 =	sadd.s32 $0x8F2B, s0  }
0x35: {  	[sflag:s0] =	ssyncadd.remote.s32 $0x1  }
0x36: {  	_ =	sfence.sel $0xFFFF  }
0x37: {  	[dreg:$0x0] =	wrdreg $0xFFFFFFFF;
	(pc) =	sbr.abs _section_cstart, $3  }
0x38: {  	[dreg:$0x1] =	wrdreg $0xFFFFFFFF  }
0x39: {  	_ =	task.clear_ibuf [dreg:s7], $0x2FFFF;
	_ =	strace $0x9FFFFFFF  }
0x3a: {  	(tm) =	ssettm $0x7FFFFFFF  }
0x3b: {  	_ =	shalt  }
tec
execute0_lowered:
.L_overlay_start_1:
0x0: {  	(tag) =	ssettag $0x1  }
0x1: {  	s0 =	srdreg.scid  }
0x2: {  	s1 =	sshll.u32 s0, $0x4  }
0x3: {  	s0 =	stileid.u32;
	s1 =	sand.u32 $0x10, s1  }
0x4: {  	s1 =	sor.u32 s0, s1  }
0x5: {  	s6 =	rddreg [dreg:$0x0];
	s4 =	simm.s32 $0x1;
	s2 =	sshll.u32 s1, $0x7  }
0x6: {  	s7 =	simm.s32 $0x2;
	s12 =	simm.s32 $0x0;
	s1 =	ssub.s32 $0x1000, s2  }
0x7: {  	s8 =	simm.s32 $0x8000;
	s13 =	simm.s32 $0x0;
	s3 =	sand.u32 $0xF80, s1  }
0x8: {  	s9 =	simm.s32 $0x0;
	s5 =	sshrl.u32 s1, $0xC;
	p0 =	sne.s32 s3, $0x0  }
.Ltmp0:
0x9: {  	s1 =	rddreg [dreg:$0x2];
	s4 =	simm.s32 @!p0 $0x0;
	(pc) =	sbr.rel .LBB1_1-.Ltmp0, $4  }
0xa: {  	s11 =	simm.s32 $0x0;
	s3 =	rddreg [dreg:$0x1];
	s5 =	sadd.s32 s4, s5  }
0xb: {  	_ =	strace $0x80000053;
	s4 =	simm.s32 $0x1;
	s5 =	smul.u32 $0xC8, s5  }
0xc: {  	s6 =	sadd.s32 $0x800, s6;
	s10 =	smov.u32 s2;
	[sflag:s4] =	ssyncpa.u1 $0x0  }
0xd: {  	p0 =	por $0x0, $0x0;
	[sflag:s7] =	ssyncpa.u1 $0x0;
	s7 =	sor.u32 $0x1, s5  }
.LBB1_4:
0xe: {  	s16 =	sshll.u32 s13, $0x3;
	s17 =	sand.u32 $0x78, s13  }
0xf: {  	s30 =	sand.u32 $0x7E00, s13;
	s12 =	sshll.u32 s12, $0xF;
	s16 =	sand.u32 $0xC00, s16  }
0x10: {  	[tilespmem:s15+$0x810 ss:$0x81] =	vst.msk $0xffff, v2;
	s31 =	sand.u32 $0x7, s13;
	s16 =	sor.u32 s17, s16;
	s17 =	sadd.s32 s3, s30  }
0x11: {  	[tilespmem:s15+$0x1020 ss:$0x81] =	vst.msk $0xffff, v0;
	s13 =	sshll.u32 s31, $0x12;
	s12 =	sadd.s32 s12, s17;
	s16 =	sshrl.u32 s16, $0x3  }
0x12: {  	[tilespmem:s15+$0x0 ss:$0x81] =	vst.msk $0xffff, v1;
	s13 =	sor.u32 $0x400, s13;
	s12 =	sadd.s32 s16, s12  }
0x13: {  	[hbm4b:s12+s13] =	stream.strided.scatter [tilespmem:s14], [sflag:$0x2], $0x2000, s8, s13, $0x20;
	[tilespmem:$0x8080] =	vst v63  }
.LBB1_5:
0x14: {  	s14 =	sadd.s32 $0x1, s9  }
0x15: {  	s12 =	sadd.s32 $0x1000, s10;
	s16 =	smov.u32 s10;
	p2 =	sgt.s32 s14, $0xC7  }
0x16: {  	s16 =	smov.u32 @p2 s12  }
0x17: {  	s14 =	simm.s32 @p2 $0x0;
	p2 =	sgt.s32 s16, $0xFFF  }
0x18: {  	s16 =	smov.u32 @p2 s2;
	p2 =	sne.s32 s11, s7  }
.Ltmp1:
0x19: {  	p1 =	slt.u32 s11, $0x2;
	(pc) =	sbr.rel @!p2 .LBB1_6-.Ltmp1, $4  }
0x1a: {  	s15 =	simm.s32 @!p1 $0x2  }
0x1b: {  	s13 =	smov.u32 s10;
	p0 =	por !p0, !p0;
	_ =	swait.ge @!p1 [sflag:s15], $0x2000  }
0x1c: {  	s12 =	smov.u32 s9;
	[sflag:s15] =	ssyncset.done @!p1 $0x0;
	s9 =	smov.u32 s14  }
0x1d: {  	s11 =	sadd.s32 $0x1, s11;
	[sflag:s15] =	ssyncadd.s32 @!p1 $0xFFFFE000;
	s10 =	smov.u32 s16  }
.LBB1_1:
0x1e: {  	p1 =	sge.u32 s11, s5  }
0x1f: {  	s14 =	sand.u32 @!p1 $0x1FFFFFF, s9  }
0x20: {  	s15 =	smulhi.u32 @!p1 $0x147AE15, s14;
	_ =	sdelay $0x1  }
0x21: {  	s15 =	smul.u32 @!p1 $0xC8, s15  }
0x22: {  	s16 =	sxor.u32 @!p1 $0xFFFFFFFF, s11;
	s17 =	smul.u32 @!p1 $0xC80, s10  }
0x23: {  	s31 =	sadd.s32 $0xFFFFFFFF, s11;
	s16 =	sshll.u32 @!p1 s16, $0xD;
	s14 =	ssub.s32 @!p1 s14, s15  }
0x24: {  	s15 =	sand.u32 @!p1 $0x2000, s16;
	s16 =	sadd.s32 @!p1 s6, s17;
	s14 =	sshll.u32 @!p1 s14, $0x4  }
0x25: {  	s17 =	simm.s32 @!p1 $0x6400;
	s14 =	sadd.s32 @!p1 s14, s16;
	s16 =	simm.s32 @!p1 $0x40  }
0x26: {  	[tilespmem:s15], [sflag:$0x1] =	stream.strided.gather @!p1 [hbm4b:s14+s16], $0x2000, s17, s16, $0x38;
	[tilespmem:$0x8080] =	vst v63  }
0x27: {  	p1 =	sge.u32 s31, s5  }
.Ltmp2:
0x28: {  	_ = 	snop;
	(pc) =	sbr.rel @p1 .LBB1_5-.Ltmp2, $1  }
0x29: {  	_ =	sdelay $0x3  }
0x2a: {  	s14 =	simm.s32 $0x1  }
0x2b: {  	_ =	swait.ge [sflag:s4], $0x2000;
	s14 =	simm.s32 @!p0 $0x0  }
0x2c: {  	[sflag:s4] =	ssyncset.done $0x0;
	s15 =	sshll.u32 s14, $0xD  }
0x2d: {  	[sflag:s4] =	ssyncadd.s32 $0xFFFFE000;
	s18 =	sor.u32 $0x20, s15  }
0x2e: {  	s14 =	smul.u32 $0x8100, s14;
	v3 =	vld [tilespmem:s18+$0x10]  }
0x2f: {  	s30 =	sand.u32 $0x1, s11;
	v2 =	vld [tilespmem:s18+$0xFFFFFFF0]  }
0x30: {  	s15 =	smul.u32 $0x8100, s30;
	s14 =	sshrl.u32 s14, $0x2;
	v0 =	vld [tilespmem:s18+$0x0]  }
0x31: {  	v1 =	vld [tilespmem:s18+$0xFFFFFFE0];
	s16 =	sor.u32 $0x4000, s14  }
0x32: {  	s31 =	sshrl.u32 s15, $0x2;
	s15 =	sadd.s32 $0x0, s16  }
0x33: {  	s17 =	simm.s32 $0x4;
	s18 =	sadd.s32 $0x40, s18;
	s14 =	sor.u32 $0x4000, s31;
	[tilespmem:s15+$0x1830 ss:$0x81] =	vst.msk $0xffff, v3  }
.LBB1_3:
0x34: {  	v3 =	vld [tilespmem:s18+$0x10];
	p1 =	sne.s32 s17, $0x1FC;
	[tilespmem:s15+$0x810 ss:$0x81] =	vst.msk $0xffff, v2;
	s19 =	smov.u32 s17;
	s17 =	sadd.s32 $0x4, s17  }
.Ltmp3:
0x35: {  	v2 =	vld [tilespmem:s18+$0xFFFFFFF0];
	[tilespmem:s15+$0x1020 ss:$0x81] =	vst.msk $0xffff, v0;
	(pc) =	sbr.rel @p1 .LBB1_3-.Ltmp3, $4  }
0x36: {  	v0 =	vld [tilespmem:s18+$0x0];
	[tilespmem:s15+$0x0 ss:$0x81] =	vst.msk $0xffff, v1  }
0x37: {  	s15 =	sshra.s32 s19, $0x2;
	v1 =	vld [tilespmem:s18+$0xFFFFFFE0]  }
0x38: {  	s15 =	sadd.s32 s15, s16  }
0x39: {  	s18 =	sadd.s32 $0x40, s18;
	[tilespmem:s15+$0x1830 ss:$0x81] =	vst.msk $0xffff, v3  }
.Ltmp4:
0x3a: {  	_ = 	snop;
	(pc) =	sbr.rel .LBB1_4-.Ltmp4, $1  }
0x3b: {  	_ =	sdelay $0x3  }
.LBB1_6:
0x3c: {  	_ =	sfence.sel $0x180000  }
0x3d: {  	s2 =	simm.s32 $0x1;
	[bflag:$0x0] =	sbarrier.arrive $0xFFFF  }
0x3e: {  	s31 =	simm.s32 $0x2;
	[sflag:s2] =	ssyncpa.u1 $0x1  }
0x3f: {  	[sflag:s31] =	ssyncpa.u1 $0x1  }
0x40: {  	p0 =	sne.s32 s0, $0x0;
	_ =	strace $0x90000053  }
0x41: {  	s0 =	sadd.s32 @!p0 $0x100000, s1;
	[bflag:$0x2] =	sbarrier.arrive $0xFFFF  }
0x42: {  	[sflag:s0] =	ssyncadd.tile.s32 @!p0 $0x1;
	_ =	shalt  }
.Lfunc_end1:
_tile_overlayer_lowered:
.L_overlay_start_2:
0x43: {  	(tag) =	ssettag $0x2  }
0x44: {  	s0 =	rddreg [dreg:$0x0];
	s2 =	stileid.u32  }
0x45: {  	s1 =	rddreg [dreg:$0x1];
	p0 =	sne.s32 s2, $0x0  }
0x46: {  	s3 =	rddreg [dreg:$0x2];
	[bflag:$0x3] =	sbarrier.arrive $0xFFFF;
	s2 =	simm.s32 @!p0 $0x1C01  }
0x47: {  	[timem:s3], [sflag:s2] =	dma.local @!p0 [hbm:s0], s1  }
0x48: {  	s0 =	simm.s32 @!p0 $0x1  }
0x49: {  	_ =	swait.ge @!p0 [sflag:s0], s1  }
0x4a: {  	s1 =	ssub.s32 @!p0 $0x0, s1;
	[sflag:s0] =	ssyncset.done @!p0 $0x0  }
0x4b: {  	[sflag:s0] =	ssyncadd.s32 @!p0 s1  }
0x4c: {  	[bflag:$0x3] =	sbarrier.arrive $0xFFFF  }
0x4d: {  	_ =	shalt  }

</sc_bundles>
